<compile_context>
chip_gen: v7x
topology: tpu7x:2x2x1
jax: 0.10.2.dev20260603
libtpu: 0.0.44.dev20260713+nightly
codegen_flags: <defaults>
</compile_context>

<pallas_src>
import functools

import jax
import jax.numpy as jnp
from jax import lax
from jax.experimental import pallas as pl
from jax.experimental.pallas import tpu as pltpu
from jax.experimental.pallas import tpu_sc as plsc

_OUTPUT_DIM = 64
_NB_ACTIONS = 26
_BATCH = 16384

_NC = 2
_NS = 16
_NW = _NC * _NS
_L = 16
_BPW = _BATCH // _NW
_CH = 128
_NCH = _BPW // _CH

_mesh = plsc.VectorSubcoreMesh(core_axis_name="c", subcore_axis_name="s")


@functools.partial(
    pl.kernel,
    mesh=_mesh,
    out_type=jax.ShapeDtypeStruct((_BATCH, 2 * _OUTPUT_DIM), jnp.float32),
    scratch_types=[
        pltpu.VMEM((_BPW,), jnp.int32),
        pltpu.VMEM((_NCH, _CH), jnp.int32),
        pltpu.VMEM((_BPW, _OUTPUT_DIM), jnp.float32),
        pltpu.SemaphoreType.DMA,
        pltpu.SemaphoreType.DMA,
    ],
    compiler_params=pltpu.CompilerParams(use_tc_tiling_on_sc=False),
)
def _gather_rows(table_hbm, idx_hbm, out_hbm, rawidx_v, rowid_v, rows_v, gsem, wsem):
    wid = lax.axis_index("s") * _NC + lax.axis_index("c")
    base = wid * _BPW

    pltpu.sync_copy(idx_hbm.at[pl.ds(base, _BPW)], rawidx_v)

    lane = lax.iota(jnp.int32, 16)
    gathers = []
    for j in range(_NCH):
        for i in range(_CH // _L):
            k = j * (_CH // _L) + i
            act = rawidx_v[pl.ds(k * _L, _L)]
            b = base + k * _L + lane
            rowid_v[j, pl.ds(i * _L, _L)] = (
                ((b >> 3) * 13 + (act >> 1)) * 16 + ((b & 7) << 1) + (act & 1)
            )
        gathers.append(
            pltpu.async_copy(
                table_hbm.at[rowid_v.at[j]],
                rows_v.at[pl.ds(j * _CH, _CH)],
                gsem,
            )
        )

    writes = []
    for j in range(_NCH):
        gathers[j].wait()
        writes.append(
            pltpu.async_copy(
                rows_v.at[pl.ds(j * _CH, _CH)],
                out_hbm.at[pl.ds(base + j * _CH, _CH), pl.ds(0, _OUTPUT_DIM)],
                wsem,
            )
        )
    for w in writes:
        w.wait()


def kernel(full_output, indices):
    table = (
        full_output.reshape(_BATCH // 8, 8, _NB_ACTIONS // 2, 128)
        .swapaxes(1, 2)
        .reshape(_BATCH * _NB_ACTIONS, _OUTPUT_DIM)
    )
    idx = indices.reshape(_BATCH).astype(jnp.int32)
    padded = _gather_rows(table, idx)
    return padded[:, :_OUTPUT_DIM]

# --- scband reference (transcript-rebuilt; emitter-appended) ---
"""Pipeline reference for scband-gather-layer-37082747633839 (READ-ONLY COPY).

The authoritative reference and input builder live on the scoring server;
editing this copy changes nothing except your own understanding.
"""

import jax, jax.numpy as jnp
import numpy as np

OUTPUT_DIM = 64
NB_ACTIONS = 26
BATCH = 16384


def setup_inputs(seed: int = 0) -> dict:
    key = jax.random.key(seed)
    k1, k2 = jax.random.split(key)
    full_output = jax.random.normal(k1, (BATCH, OUTPUT_DIM * NB_ACTIONS), dtype=jnp.float32)
    indices = jax.random.randint(k2, (BATCH, 1), 0, NB_ACTIONS).astype(jnp.int64)
    return {"full_output": full_output, "indices": indices}


def reference(full_output, indices):
    # Faithful translation of GatherLayer.gather_layer:
    # base_absolute_indices = indices * output_size            -> [B, 1]
    # tiled + range gives, for each row b, the contiguous column
    # indices [indices[b]*output_dim, ..., indices[b]*output_dim + output_dim - 1].
    # The one_hot / reduce_sum / where / gather_nd pipeline in the TF code is
    # exactly a per-row contiguous slice gather of width output_dim.
    base_absolute_indices = indices * OUTPUT_DIM                      # [B, 1]
    absolute_indices = base_absolute_indices + jnp.arange(OUTPUT_DIM)[None, :]  # [B, output_dim]
    reduced_output = jnp.take_along_axis(full_output, absolute_indices, axis=1)
    return jnp.reshape(reduced_output, (-1, OUTPUT_DIM))

if __name__ == "__main__":
    import jax
    _d = setup_inputs()
    print(jax.jit(kernel)(*tuple(_d.values())))

</pallas_src>

<mosaic_0001>
#map = affine_map<(d0, d1) -> (0, 0)>
#map1 = affine_map<(d0, d1) -> (0)>
module attributes {stable_mosaic.version = 14 : i64} {
  func.func @_gather_rows(%arg0: i32, %arg1: i32, %arg2: memref<425984x64xf32, #tpu.memory_space<hbm>>, %arg3: memref<16384xi32, #tpu.memory_space<hbm>>, %arg4: memref<16384x128xf32, #tpu.memory_space<hbm>>, %arg5: memref<512xi32, #tpu.memory_space<vmem>>, %arg6: memref<4x128xi32, #tpu.memory_space<vmem>>, %arg7: memref<512x64xf32, #tpu.memory_space<vmem>>, %arg8: memref<!tpu.dma_semaphore, #tpu.memory_space<semaphore_mem>>, %arg9: memref<!tpu.dma_semaphore, #tpu.memory_space<semaphore_mem>>) attributes {dimension_semantics = [#tpu.dimension_semantics<core_parallel>, #tpu.dimension_semantics<subcore_parallel>], iteration_bounds = array<i64: 2, 16>, scalar_prefetch = 0 : i64, scratch_operands = 5 : i64, tpu.core_type = #tpu.core_type<sc_vector_subcore>, window_params = [{transform_indices = #map}, {transform_indices = #map1}, {transform_indices = #map}]} {
    %mul3A = arith.constant 2 : i32
    %mul3A_0 = arith.muli %arg1, %mul3A : i32
    %add3A = arith.addi %mul3A_0, %arg0 : i32
    %mul3A_1 = arith.constant 512 : i32
    %mul3A_2 = arith.muli %add3A, %mul3A_1 : i32
    "tpu.region"() ({
      %run_scoped3A = tpu.sem_alloc : memref<!tpu.dma_semaphore, #tpu.memory_space<semaphore_mem>>
      %dma_start3A_1348 = tpu.memref_slice %arg3[%mul3A_2] : memref<16384xi32, #tpu.memory_space<hbm>> -> memref<512xi32, #tpu.memory_space<hbm>>
      %dma_start3A_1349 = tpu.memref_slice %arg3[%mul3A_2] : memref<16384xi32, #tpu.memory_space<hbm>> -> memref<512xi32, #tpu.memory_space<hbm>>
      tpu.enqueue_dma source(%dma_start3A_1349 : memref<512xi32, #tpu.memory_space<hbm>>) target(%arg5 : memref<512xi32, #tpu.memory_space<vmem>>) target_semaphore(%run_scoped3A : memref<!tpu.dma_semaphore, #tpu.memory_space<semaphore_mem>>)
      %dma_wait3A_1350 = tpu.memref_slice %arg3[%mul3A_2] : memref<16384xi32, #tpu.memory_space<hbm>> -> memref<512xi32, #tpu.memory_space<hbm>>
      %dma_wait3A_1351 = tpu.memref_slice %arg3[%mul3A_2] : memref<16384xi32, #tpu.memory_space<hbm>> -> memref<512xi32, #tpu.memory_space<hbm>>
      tpu.wait_dma2 semaphore(%run_scoped3A : memref<!tpu.dma_semaphore, #tpu.memory_space<semaphore_mem>>) src(%dma_wait3A_1351 : memref<512xi32, #tpu.memory_space<hbm>>) dst(%arg5 : memref<512xi32, #tpu.memory_space<vmem>>)
      tpu.yield
    }) : () -> ()
    %iota3A = tpu.iota {dimensions = array<i32: 0>} : vector<16xi32>
    %get3A = arith.constant 0 : index
    %get3A_3 = tpu.vector_load %arg5[%get3A] {strides = array<i32>} : memref<512xi32, #tpu.memory_space<vmem>>, vector<16xi32>,
    %get3A_4 = vector.shape_cast %get3A_3 : vector<16xi32> to vector<16xi32>
    %add3A_5 = arith.constant 0 : i32
    %add3A_6 = arith.addi %mul3A_2, %add3A_5 : i32
    %add3A_7 = vector.broadcast %add3A_6 : i32 to vector<16xi32>
    %add3A_8 = arith.addi %add3A_7, %iota3A : vector<16xi32>
    %shift_right_arithmetic3A = arith.constant 3 : i32
    %shift_right_arithmetic3A_9 = vector.broadcast %shift_right_arithmetic3A : i32 to vector<16xi32>
    %shift_right_arithmetic3A_10 = arith.shrsi %add3A_8, %shift_right_arithmetic3A_9 : vector<16xi32>
    %mul3A_11 = arith.constant 13 : i32
    %mul3A_12 = vector.broadcast %mul3A_11 : i32 to vector<16xi32>
    %mul3A_13 = arith.muli %shift_right_arithmetic3A_10, %mul3A_12 : vector<16xi32>
    %shift_right_arithmetic3A_14 = arith.constant 1 : i32
    %shift_right_arithmetic3A_15 = vector.broadcast %shift_right_arithmetic3A_14 : i32 to vector<16xi32>
    %shift_right_arithmetic3A_16 = arith.shrsi %get3A_4, %shift_right_arithmetic3A_15 : vector<16xi32>
    %add3A_17 = arith.addi %mul3A_13, %shift_right_arithmetic3A_16 : vector<16xi32>
    %mul3A_18 = arith.constant 16 : i32
    %mul3A_19 = vector.broadcast %mul3A_18 : i32 to vector<16xi32>
    %mul3A_20 = arith.muli %add3A_17, %mul3A_19 : vector<16xi32>
    %and3A = arith.constant 7 : i32
    %and3A_21 = vector.broadcast %and3A : i32 to vector<16xi32>
    %and3A_22 = arith.andi %add3A_8, %and3A_21 : vector<16xi32>
    %shift_left3A = arith.constant 1 : i32
    %shift_left3A_23 = vector.broadcast %shift_left3A : i32 to vector<16xi32>
    %shift_left3A_24 = arith.shli %and3A_22, %shift_left3A_23 : vector<16xi32>
    %add3A_25 = arith.addi %mul3A_20, %shift_left3A_24 : vector<16xi32>
    %and3A_26 = arith.constant 1 : i32
    %and3A_27 = vector.broadcast %and3A_26 : i32 to vector<16xi32>
    %and3A_28 = arith.andi %get3A_4, %and3A_27 : vector<16xi32>
    %add3A_29 = arith.addi %add3A_25, %and3A_28 : vector<16xi32>
    %swap3A = arith.constant 0 : i32
    %swap3A_30 = arith.index_cast %swap3A : i32 to index
    %swap3A_31 = arith.constant 0 : index
    %swap3A_32 = tpu.vector_load %arg6[%swap3A_30, %swap3A_31] {strides = array<i32>} : memref<4x128xi32, #tpu.memory_space<vmem>>, vector<1x16xi32>,
    %swap3A_33 = vector.shape_cast %swap3A_32 : vector<1x16xi32> to vector<16xi32>
    %swap3A_34 = vector.shape_cast %add3A_29 : vector<16xi32> to vector<1x16xi32>
    tpu.vector_store %arg6[%swap3A_30, %swap3A_31], %swap3A_34 {strides = array<i32>} : memref<4x128xi32, #tpu.memory_space<vmem>>, vector<1x16xi32>,
    %get3A_35 = arith.constant 16 : index
    %get3A_36 = tpu.vector_load %arg5[%get3A_35] {strides = array<i32>} : memref<512xi32, #tpu.memory_space<vmem>>, vector<16xi32>,
    %get3A_37 = vector.shape_cast %get3A_36 : vector<16xi32> to vector<16xi32>
    %add3A_38 = arith.constant 16 : i32
    %add3A_39 = arith.addi %mul3A_2, %add3A_38 : i32
    %add3A_40 = vector.broadcast %add3A_39 : i32 to vector<16xi32>
    %add3A_41 = arith.addi %add3A_40, %iota3A : vector<16xi32>
    %shift_right_arithmetic3A_42 = arith.constant 3 : i32
    %shift_right_arithmetic3A_43 = vector.broadcast %shift_right_arithmetic3A_42 : i32 to vector<16xi32>
    %shift_right_arithmetic3A_44 = arith.shrsi %add3A_41, %shift_right_arithmetic3A_43 : vector<16xi32>
    %mul3A_45 = arith.constant 13 : i32
    %mul3A_46 = vector.broadcast %mul3A_45 : i32 to vector<16xi32>
    %mul3A_47 = arith.muli %shift_right_arithmetic3A_44, %mul3A_46 : vector<16xi32>
    %shift_right_arithmetic3A_48 = arith.constant 1 : i32
    %shift_right_arithmetic3A_49 = vector.broadcast %shift_right_arithmetic3A_48 : i32 to vector<16xi32>
    %shift_right_arithmetic3A_50 = arith.shrsi %get3A_37, %shift_right_arithmetic3A_49 : vector<16xi32>
    %add3A_51 = arith.addi %mul3A_47, %shift_right_arithmetic3A_50 : vector<16xi32>
    %mul3A_52 = arith.constant 16 : i32
    %mul3A_53 = vector.broadcast %mul3A_52 : i32 to vector<16xi32>
    %mul3A_54 = arith.muli %add3A_51, %mul3A_53 : vector<16xi32>
    %and3A_55 = arith.constant 7 : i32
    %and3A_56 = vector.broadcast %and3A_55 : i32 to vector<16xi32>
    %and3A_57 = arith.andi %add3A_41, %and3A_56 : vector<16xi32>
    %shift_left3A_58 = arith.constant 1 : i32
    %shift_left3A_59 = vector.broadcast %shift_left3A_58 : i32 to vector<16xi32>
    %shift_left3A_60 = arith.shli %and3A_57, %shift_left3A_59 : vector<16xi32>
    %add3A_61 = arith.addi %mul3A_54, %shift_left3A_60 : vector<16xi32>
    %and3A_62 = arith.constant 1 : i32
    %and3A_63 = vector.broadcast %and3A_62 : i32 to vector<16xi32>
    %and3A_64 = arith.andi %get3A_37, %and3A_63 : vector<16xi32>
    %add3A_65 = arith.addi %add3A_61, %and3A_64 : vector<16xi32>
    %swap3A_66 = arith.constant 0 : i32
    %swap3A_67 = arith.index_cast %swap3A_66 : i32 to index
    %swap3A_68 = arith.constant 16 : index
    %swap3A_69 = tpu.vector_load %arg6[%swap3A_67, %swap3A_68] {strides = array<i32>} : memref<4x128xi32, #tpu.memory_space<vmem>>, vector<1x16xi32>,
    %swap3A_70 = vector.shape_cast %swap3A_69 : vector<1x16xi32> to vector<16xi32>
    %swap3A_71 = vector.shape_cast %add3A_65 : vector<16xi32> to vector<1x16xi32>
    tpu.vector_store %arg6[%swap3A_67, %swap3A_68], %swap3A_71 {strides = array<i32>} : memref<4x128xi32, #tpu.memory_space<vmem>>, vector<1x16xi32>,
    %get3A_72 = arith.constant 32 : index
    %get3A_73 = tpu.vector_load %arg5[%get3A_72] {strides = array<i32>} : memref<512xi32, #tpu.memory_space<vmem>>, vector<16xi32>,
    %get3A_74 = vector.shape_cast %get3A_73 : vector<16xi32> to vector<16xi32>
    %add3A_75 = arith.constant 32 : i32
    %add3A_76 = arith.addi %mul3A_2, %add3A_75 : i32
    %add3A_77 = vector.broadcast %add3A_76 : i32 to vector<16xi32>
    %add3A_78 = arith.addi %add3A_77, %iota3A : vector<16xi32>
    %shift_right_arithmetic3A_79 = arith.constant 3 : i32
    %shift_right_arithmetic3A_80 = vector.broadcast %shift_right_arithmetic3A_79 : i32 to vector<16xi32>
    %shift_right_arithmetic3A_81 = arith.shrsi %add3A_78, %shift_right_arithmetic3A_80 : vector<16xi32>
    %mul3A_82 = arith.constant 13 : i32
    %mul3A_83 = vector.broadcast %mul3A_82 : i32 to vector<16xi32>
    %mul3A_84 = arith.muli %shift_right_arithmetic3A_81, %mul3A_83 : vector<16xi32>
    %shift_right_arithmetic3A_85 = arith.constant 1 : i32
    %shift_right_arithmetic3A_86 = vector.broadcast %shift_right_arithmetic3A_85 : i32 to vector<16xi32>
    %shift_right_arithmetic3A_87 = arith.shrsi %get3A_74, %shift_right_arithmetic3A_86 : vector<16xi32>
    %add3A_88 = arith.addi %mul3A_84, %shift_right_arithmetic3A_87 : vector<16xi32>
    %mul3A_89 = arith.constant 16 : i32
    %mul3A_90 = vector.broadcast %mul3A_89 : i32 to vector<16xi32>
    %mul3A_91 = arith.muli %add3A_88, %mul3A_90 : vector<16xi32>
    %and3A_92 = arith.constant 7 : i32
    %and3A_93 = vector.broadcast %and3A_92 : i32 to vector<16xi32>
    %and3A_94 = arith.andi %add3A_78, %and3A_93 : vector<16xi32>
    %shift_left3A_95 = arith.constant 1 : i32
    %shift_left3A_96 = vector.broadcast %shift_left3A_95 : i32 to vector<16xi32>
    %shift_left3A_97 = arith.shli %and3A_94, %shift_left3A_96 : vector<16xi32>
    %add3A_98 = arith.addi %mul3A_91, %shift_left3A_97 : vector<16xi32>
    %and3A_99 = arith.constant 1 : i32
    %and3A_100 = vector.broadcast %and3A_99 : i32 to vector<16xi32>
    %and3A_101 = arith.andi %get3A_74, %and3A_100 : vector<16xi32>
    %add3A_102 = arith.addi %add3A_98, %and3A_101 : vector<16xi32>
    %swap3A_103 = arith.constant 0 : i32
    %swap3A_104 = arith.index_cast %swap3A_103 : i32 to index
    %swap3A_105 = arith.constant 32 : index
    %swap3A_106 = tpu.vector_load %arg6[%swap3A_104, %swap3A_105] {strides = array<i32>} : memref<4x128xi32, #tpu.memory_space<vmem>>, vector<1x16xi32>,
    %swap3A_107 = vector.shape_cast %swap3A_106 : vector<1x16xi32> to vector<16xi32>
    %swap3A_108 = vector.shape_cast %add3A_102 : vector<16xi32> to vector<1x16xi32>
    tpu.vector_store %arg6[%swap3A_104, %swap3A_105], %swap3A_108 {strides = array<i32>} : memref<4x128xi32, #tpu.memory_space<vmem>>, vector<1x16xi32>,
    %get3A_109 = arith.constant 48 : index
    %get3A_110 = tpu.vector_load %arg5[%get3A_109] {strides = array<i32>} : memref<512xi32, #tpu.memory_space<vmem>>, vector<16xi32>,
    %get3A_111 = vector.shape_cast %get3A_110 : vector<16xi32> to vector<16xi32>
    %add3A_112 = arith.constant 48 : i32
    %add3A_113 = arith.addi %mul3A_2, %add3A_112 : i32
    %add3A_114 = vector.broadcast %add3A_113 : i32 to vector<16xi32>
    %add3A_115 = arith.addi %add3A_114, %iota3A : vector<16xi32>
    %shift_right_arithmetic3A_116 = arith.constant 3 : i32
    %shift_right_arithmetic3A_117 = vector.broadcast %shift_right_arithmetic3A_116 : i32 to vector<16xi32>
    %shift_right_arithmetic3A_118 = arith.shrsi %add3A_115, %shift_right_arithmetic3A_117 : vector<16xi32>
    %mul3A_119 = arith.constant 13 : i32
    %mul3A_120 = vector.broadcast %mul3A_119 : i32 to vector<16xi32>
    %mul3A_121 = arith.muli %shift_right_arithmetic3A_118, %mul3A_120 : vector<16xi32>
    %shift_right_arithmetic3A_122 = arith.constant 1 : i32
    %shift_right_arithmetic3A_123 = vector.broadcast %shift_right_arithmetic3A_122 : i32 to vector<16xi32>
    %shift_right_arithmetic3A_124 = arith.shrsi %get3A_111, %shift_right_arithmetic3A_123 : vector<16xi32>
    %add3A_125 = arith.addi %mul3A_121, %shift_right_arithmetic3A_124 : vector<16xi32>
    %mul3A_126 = arith.constant 16 : i32
    %mul3A_127 = vector.broadcast %mul3A_126 : i32 to vector<16xi32>
    %mul3A_128 = arith.muli %add3A_125, %mul3A_127 : vector<16xi32>
    %and3A_129 = arith.constant 7 : i32
    %and3A_130 = vector.broadcast %and3A_129 : i32 to vector<16xi32>
    %and3A_131 = arith.andi %add3A_115, %and3A_130 : vector<16xi32>
    %shift_left3A_132 = arith.constant 1 : i32
    %shift_left3A_133 = vector.broadcast %shift_left3A_132 : i32 to vector<16xi32>
    %shift_left3A_134 = arith.shli %and3A_131, %shift_left3A_133 : vector<16xi32>
    %add3A_135 = arith.addi %mul3A_128, %shift_left3A_134 : vector<16xi32>
    %and3A_136 = arith.constant 1 : i32
    %and3A_137 = vector.broadcast %and3A_136 : i32 to vector<16xi32>
    %and3A_138 = arith.andi %get3A_111, %and3A_137 : vector<16xi32>
    %add3A_139 = arith.addi %add3A_135, %and3A_138 : vector<16xi32>
    %swap3A_140 = arith.constant 0 : i32
    %swap3A_141 = arith.index_cast %swap3A_140 : i32 to index
    %swap3A_142 = arith.constant 48 : index
    %swap3A_143 = tpu.vector_load %arg6[%swap3A_141, %swap3A_142] {strides = array<i32>} : memref<4x128xi32, #tpu.memory_space<vmem>>, vector<1x16xi32>,
    %swap3A_144 = vector.shape_cast %swap3A_143 : vector<1x16xi32> to vector<16xi32>
    %swap3A_145 = vector.shape_cast %add3A_139 : vector<16xi32> to vector<1x16xi32>
    tpu.vector_store %arg6[%swap3A_141, %swap3A_142], %swap3A_145 {strides = array<i32>} : memref<4x128xi32, #tpu.memory_space<vmem>>, vector<1x16xi32>,
    %get3A_146 = arith.constant 64 : index
    %get3A_147 = tpu.vector_load %arg5[%get3A_146] {strides = array<i32>} : memref<512xi32, #tpu.memory_space<vmem>>, vector<16xi32>,
    %get3A_148 = vector.shape_cast %get3A_147 : vector<16xi32> to vector<16xi32>
    %add3A_149 = arith.constant 64 : i32
    %add3A_150 = arith.addi %mul3A_2, %add3A_149 : i32
    %add3A_151 = vector.broadcast %add3A_150 : i32 to vector<16xi32>
    %add3A_152 = arith.addi %add3A_151, %iota3A : vector<16xi32>
    %shift_right_arithmetic3A_153 = arith.constant 3 : i32
    %shift_right_arithmetic3A_154 = vector.broadcast %shift_right_arithmetic3A_153 : i32 to vector<16xi32>
    %shift_right_arithmetic3A_155 = arith.shrsi %add3A_152, %shift_right_arithmetic3A_154 : vector<16xi32>
    %mul3A_156 = arith.constant 13 : i32
    %mul3A_157 = vector.broadcast %mul3A_156 : i32 to vector<16xi32>
    %mul3A_158 = arith.muli %shift_right_arithmetic3A_155, %mul3A_157 : vector<16xi32>
    %shift_right_arithmetic3A_159 = arith.constant 1 : i32
    %shift_right_arithmetic3A_160 = vector.broadcast %shift_right_arithmetic3A_159 : i32 to vector<16xi32>
    %shift_right_arithmetic3A_161 = arith.shrsi %get3A_148, %shift_right_arithmetic3A_160 : vector<16xi32>
    %add3A_162 = arith.addi %mul3A_158, %shift_right_arithmetic3A_161 : vector<16xi32>
    %mul3A_163 = arith.constant 16 : i32
    %mul3A_164 = vector.broadcast %mul3A_163 : i32 to vector<16xi32>
    %mul3A_165 = arith.muli %add3A_162, %mul3A_164 : vector<16xi32>
    %and3A_166 = arith.constant 7 : i32
    %and3A_167 = vector.broadcast %and3A_166 : i32 to vector<16xi32>
    %and3A_168 = arith.andi %add3A_152, %and3A_167 : vector<16xi32>
    %shift_left3A_169 = arith.constant 1 : i32
    %shift_left3A_170 = vector.broadcast %shift_left3A_169 : i32 to vector<16xi32>
    %shift_left3A_171 = arith.shli %and3A_168, %shift_left3A_170 : vector<16xi32>
    %add3A_172 = arith.addi %mul3A_165, %shift_left3A_171 : vector<16xi32>
    %and3A_173 = arith.constant 1 : i32
    %and3A_174 = vector.broadcast %and3A_173 : i32 to vector<16xi32>
    %and3A_175 = arith.andi %get3A_148, %and3A_174 : vector<16xi32>
    %add3A_176 = arith.addi %add3A_172, %and3A_175 : vector<16xi32>
    %swap3A_177 = arith.constant 0 : i32
    %swap3A_178 = arith.index_cast %swap3A_177 : i32 to index
    %swap3A_179 = arith.constant 64 : index
    %swap3A_180 = tpu.vector_load %arg6[%swap3A_178, %swap3A_179] {strides = array<i32>} : memref<4x128xi32, #tpu.memory_space<vmem>>, vector<1x16xi32>,
    %swap3A_181 = vector.shape_cast %swap3A_180 : vector<1x16xi32> to vector<16xi32>
    %swap3A_182 = vector.shape_cast %add3A_176 : vector<16xi32> to vector<1x16xi32>
    tpu.vector_store %arg6[%swap3A_178, %swap3A_179], %swap3A_182 {strides = array<i32>} : memref<4x128xi32, #tpu.memory_space<vmem>>, vector<1x16xi32>,
    %get3A_183 = arith.constant 80 : index
    %get3A_184 = tpu.vector_load %arg5[%get3A_183] {strides = array<i32>} : memref<512xi32, #tpu.memory_space<vmem>>, vector<16xi32>,
    %get3A_185 = vector.shape_cast %get3A_184 : vector<16xi32> to vector<16xi32>
    %add3A_186 = arith.constant 80 : i32
    %add3A_187 = arith.addi %mul3A_2, %add3A_186 : i32
    %add3A_188 = vector.broadcast %add3A_187 : i32 to vector<16xi32>
    %add3A_189 = arith.addi %add3A_188, %iota3A : vector<16xi32>
    %shift_right_arithmetic3A_190 = arith.constant 3 : i32
    %shift_right_arithmetic3A_191 = vector.broadcast %shift_right_arithmetic3A_190 : i32 to vector<16xi32>
    %shift_right_arithmetic3A_192 = arith.shrsi %add3A_189, %shift_right_arithmetic3A_191 : vector<16xi32>
    %mul3A_193 = arith.constant 13 : i32
    %mul3A_194 = vector.broadcast %mul3A_193 : i32 to vector<16xi32>
    %mul3A_195 = arith.muli %shift_right_arithmetic3A_192, %mul3A_194 : vector<16xi32>
    %shift_right_arithmetic3A_196 = arith.constant 1 : i32
    %shift_right_arithmetic3A_197 = vector.broadcast %shift_right_arithmetic3A_196 : i32 to vector<16xi32>
    %shift_right_arithmetic3A_198 = arith.shrsi %get3A_185, %shift_right_arithmetic3A_197 : vector<16xi32>
    %add3A_199 = arith.addi %mul3A_195, %shift_right_arithmetic3A_198 : vector<16xi32>
    %mul3A_200 = arith.constant 16 : i32
    %mul3A_201 = vector.broadcast %mul3A_200 : i32 to vector<16xi32>
    %mul3A_202 = arith.muli %add3A_199, %mul3A_201 : vector<16xi32>
    %and3A_203 = arith.constant 7 : i32
    %and3A_204 = vector.broadcast %and3A_203 : i32 to vector<16xi32>
    %and3A_205 = arith.andi %add3A_189, %and3A_204 : vector<16xi32>
    %shift_left3A_206 = arith.constant 1 : i32
    %shift_left3A_207 = vector.broadcast %shift_left3A_206 : i32 to vector<16xi32>
    %shift_left3A_208 = arith.shli %and3A_205, %shift_left3A_207 : vector<16xi32>
    %add3A_209 = arith.addi %mul3A_202, %shift_left3A_208 : vector<16xi32>
    %and3A_210 = arith.constant 1 : i32
    %and3A_211 = vector.broadcast %and3A_210 : i32 to vector<16xi32>
    %and3A_212 = arith.andi %get3A_185, %and3A_211 : vector<16xi32>
    %add3A_213 = arith.addi %add3A_209, %and3A_212 : vector<16xi32>
    %swap3A_214 = arith.constant 0 : i32
    %swap3A_215 = arith.index_cast %swap3A_214 : i32 to index
    %swap3A_216 = arith.constant 80 : index
    %swap3A_217 = tpu.vector_load %arg6[%swap3A_215, %swap3A_216] {strides = array<i32>} : memref<4x128xi32, #tpu.memory_space<vmem>>, vector<1x16xi32>,
    %swap3A_218 = vector.shape_cast %swap3A_217 : vector<1x16xi32> to vector<16xi32>
    %swap3A_219 = vector.shape_cast %add3A_213 : vector<16xi32> to vector<1x16xi32>
    tpu.vector_store %arg6[%swap3A_215, %swap3A_216], %swap3A_219 {strides = array<i32>} : memref<4x128xi32, #tpu.memory_space<vmem>>, vector<1x16xi32>,
    %get3A_220 = arith.constant 96 : index
    %get3A_221 = tpu.vector_load %arg5[%get3A_220] {strides = array<i32>} : memref<512xi32, #tpu.memory_space<vmem>>, vector<16xi32>,
    %get3A_222 = vector.shape_cast %get3A_221 : vector<16xi32> to vector<16xi32>
    %add3A_223 = arith.constant 96 : i32
    %add3A_224 = arith.addi %mul3A_2, %add3A_223 : i32
    %add3A_225 = vector.broadcast %add3A_224 : i32 to vector<16xi32>
    %add3A_226 = arith.addi %add3A_225, %iota3A : vector<16xi32>
    %shift_right_arithmetic3A_227 = arith.constant 3 : i32
    %shift_right_arithmetic3A_228 = vector.broadcast %shift_right_arithmetic3A_227 : i32 to vector<16xi32>
    %shift_right_arithmetic3A_229 = arith.shrsi %add3A_226, %shift_right_arithmetic3A_228 : vector<16xi32>
    %mul3A_230 = arith.constant 13 : i32
    %mul3A_231 = vector.broadcast %mul3A_230 : i32 to vector<16xi32>
    %mul3A_232 = arith.muli %shift_right_arithmetic3A_229, %mul3A_231 : vector<16xi32>
    %shift_right_arithmetic3A_233 = arith.constant 1 : i32
    %shift_right_arithmetic3A_234 = vector.broadcast %shift_right_arithmetic3A_233 : i32 to vector<16xi32>
    %shift_right_arithmetic3A_235 = arith.shrsi %get3A_222, %shift_right_arithmetic3A_234 : vector<16xi32>
    %add3A_236 = arith.addi %mul3A_232, %shift_right_arithmetic3A_235 : vector<16xi32>
    %mul3A_237 = arith.constant 16 : i32
    %mul3A_238 = vector.broadcast %mul3A_237 : i32 to vector<16xi32>
    %mul3A_239 = arith.muli %add3A_236, %mul3A_238 : vector<16xi32>
    %and3A_240 = arith.constant 7 : i32
    %and3A_241 = vector.broadcast %and3A_240 : i32 to vector<16xi32>
    %and3A_242 = arith.andi %add3A_226, %and3A_241 : vector<16xi32>
    %shift_left3A_243 = arith.constant 1 : i32
    %shift_left3A_244 = vector.broadcast %shift_left3A_243 : i32 to vector<16xi32>
    %shift_left3A_245 = arith.shli %and3A_242, %shift_left3A_244 : vector<16xi32>
    %add3A_246 = arith.addi %mul3A_239, %shift_left3A_245 : vector<16xi32>
    %and3A_247 = arith.constant 1 : i32
    %and3A_248 = vector.broadcast %and3A_247 : i32 to vector<16xi32>
    %and3A_249 = arith.andi %get3A_222, %and3A_248 : vector<16xi32>
    %add3A_250 = arith.addi %add3A_246, %and3A_249 : vector<16xi32>
    %swap3A_251 = arith.constant 0 : i32
    %swap3A_252 = arith.index_cast %swap3A_251 : i32 to index
    %swap3A_253 = arith.constant 96 : index
    %swap3A_254 = tpu.vector_load %arg6[%swap3A_252, %swap3A_253] {strides = array<i32>} : memref<4x128xi32, #tpu.memory_space<vmem>>, vector<1x16xi32>,
    %swap3A_255 = vector.shape_cast %swap3A_254 : vector<1x16xi32> to vector<16xi32>
    %swap3A_256 = vector.shape_cast %add3A_250 : vector<16xi32> to vector<1x16xi32>
    tpu.vector_store %arg6[%swap3A_252, %swap3A_253], %swap3A_256 {strides = array<i32>} : memref<4x128xi32, #tpu.memory_space<vmem>>, vector<1x16xi32>,
    %get3A_257 = arith.constant 112 : index
    %get3A_258 = tpu.vector_load %arg5[%get3A_257] {strides = array<i32>} : memref<512xi32, #tpu.memory_space<vmem>>, vector<16xi32>,
    %get3A_259 = vector.shape_cast %get3A_258 : vector<16xi32> to vector<16xi32>
    %add3A_260 = arith.constant 112 : i32
    %add3A_261 = arith.addi %mul3A_2, %add3A_260 : i32
    %add3A_262 = vector.broadcast %add3A_261 : i32 to vector<16xi32>
    %add3A_263 = arith.addi %add3A_262, %iota3A : vector<16xi32>
    %shift_right_arithmetic3A_264 = arith.constant 3 : i32
    %shift_right_arithmetic3A_265 = vector.broadcast %shift_right_arithmetic3A_264 : i32 to vector<16xi32>
    %shift_right_arithmetic3A_266 = arith.shrsi %add3A_263, %shift_right_arithmetic3A_265 : vector<16xi32>
    %mul3A_267 = arith.constant 13 : i32
    %mul3A_268 = vector.broadcast %mul3A_267 : i32 to vector<16xi32>
    %mul3A_269 = arith.muli %shift_right_arithmetic3A_266, %mul3A_268 : vector<16xi32>
    %shift_right_arithmetic3A_270 = arith.constant 1 : i32
    %shift_right_arithmetic3A_271 = vector.broadcast %shift_right_arithmetic3A_270 : i32 to vector<16xi32>
    %shift_right_arithmetic3A_272 = arith.shrsi %get3A_259, %shift_right_arithmetic3A_271 : vector<16xi32>
    %add3A_273 = arith.addi %mul3A_269, %shift_right_arithmetic3A_272 : vector<16xi32>
    %mul3A_274 = arith.constant 16 : i32
    %mul3A_275 = vector.broadcast %mul3A_274 : i32 to vector<16xi32>
    %mul3A_276 = arith.muli %add3A_273, %mul3A_275 : vector<16xi32>
    %and3A_277 = arith.constant 7 : i32
    %and3A_278 = vector.broadcast %and3A_277 : i32 to vector<16xi32>
    %and3A_279 = arith.andi %add3A_263, %and3A_278 : vector<16xi32>
    %shift_left3A_280 = arith.constant 1 : i32
    %shift_left3A_281 = vector.broadcast %shift_left3A_280 : i32 to vector<16xi32>
    %shift_left3A_282 = arith.shli %and3A_279, %shift_left3A_281 : vector<16xi32>
    %add3A_283 = arith.addi %mul3A_276, %shift_left3A_282 : vector<16xi32>
    %and3A_284 = arith.constant 1 : i32
    %and3A_285 = vector.broadcast %and3A_284 : i32 to vector<16xi32>
    %and3A_286 = arith.andi %get3A_259, %and3A_285 : vector<16xi32>
    %add3A_287 = arith.addi %add3A_283, %and3A_286 : vector<16xi32>
    %swap3A_288 = arith.constant 0 : i32
    %swap3A_289 = arith.index_cast %swap3A_288 : i32 to index
    %swap3A_290 = arith.constant 112 : index
    %swap3A_291 = tpu.vector_load %arg6[%swap3A_289, %swap3A_290] {strides = array<i32>} : memref<4x128xi32, #tpu.memory_space<vmem>>, vector<1x16xi32>,
    %swap3A_292 = vector.shape_cast %swap3A_291 : vector<1x16xi32> to vector<16xi32>
    %swap3A_293 = vector.shape_cast %add3A_287 : vector<16xi32> to vector<1x16xi32>
    tpu.vector_store %arg6[%swap3A_289, %swap3A_290], %swap3A_293 {strides = array<i32>} : memref<4x128xi32, #tpu.memory_space<vmem>>, vector<1x16xi32>,
    %dma_start3A = arith.constant 0 : i32
    %dma_start3A_294 = arith.constant 0 : i32
    %dma_start3A_295 = arith.constant 0 : i32
    %dma_start3A_296 = tpu.memref_slice %arg7[%dma_start3A_294, %dma_start3A_295] : memref<512x64xf32, #tpu.memory_space<vmem>> -> memref<128x64xf32, #tpu.memory_space<vmem>>
    %dma_start3A_297 = arith.constant 0 : i32
    %dma_start3A_298 = tpu.memref_slice %arg6[%dma_start3A, %dma_start3A_297] : memref<4x128xi32, #tpu.memory_space<vmem>> -> memref<1x128xi32, #tpu.memory_space<vmem>>
    %dma_start3A_299 = tpu.memref_squeeze %dma_start3A_298 : memref<1x128xi32, #tpu.memory_space<vmem>> -> memref<128xi32, #tpu.memory_space<vmem>>
    %dma_start3A_300 = arith.constant 0 : i32
    %dma_start3A_301 = arith.constant 0 : i32
    %dma_start3A_302 = tpu.memref_slice %arg2[%dma_start3A_300, %dma_start3A_301] : memref<425984x64xf32, #tpu.memory_space<hbm>> -> memref<425984x64xf32, #tpu.memory_space<hbm>>
    tpu.enqueue_indirect_dma source(%dma_start3A_302 : memref<425984x64xf32, #tpu.memory_space<hbm>>) target(%dma_start3A_296 : memref<128x64xf32, #tpu.memory_space<vmem>>) offsets(%dma_start3A_299 : memref<128xi32, #tpu.memory_space<vmem>>) semaphore(%arg8 : memref<!tpu.dma_semaphore, #tpu.memory_space<semaphore_mem>>)
    %get3A_303 = arith.constant 128 : index
    %get3A_304 = tpu.vector_load %arg5[%get3A_303] {strides = array<i32>} : memref<512xi32, #tpu.memory_space<vmem>>, vector<16xi32>,
    %get3A_305 = vector.shape_cast %get3A_304 : vector<16xi32> to vector<16xi32>
    %add3A_306 = arith.constant 128 : i32
    %add3A_307 = arith.addi %mul3A_2, %add3A_306 : i32
    %add3A_308 = vector.broadcast %add3A_307 : i32 to vector<16xi32>
    %add3A_309 = arith.addi %add3A_308, %iota3A : vector<16xi32>
    %shift_right_arithmetic3A_310 = arith.constant 3 : i32
    %shift_right_arithmetic3A_311 = vector.broadcast %shift_right_arithmetic3A_310 : i32 to vector<16xi32>
    %shift_right_arithmetic3A_312 = arith.shrsi %add3A_309, %shift_right_arithmetic3A_311 : vector<16xi32>
    %mul3A_313 = arith.constant 13 : i32
    %mul3A_314 = vector.broadcast %mul3A_313 : i32 to vector<16xi32>
    %mul3A_315 = arith.muli %shift_right_arithmetic3A_312, %mul3A_314 : vector<16xi32>
    %shift_right_arithmetic3A_316 = arith.constant 1 : i32
    %shift_right_arithmetic3A_317 = vector.broadcast %shift_right_arithmetic3A_316 : i32 to vector<16xi32>
    %shift_right_arithmetic3A_318 = arith.shrsi %get3A_305, %shift_right_arithmetic3A_317 : vector<16xi32>
    %add3A_319 = arith.addi %mul3A_315, %shift_right_arithmetic3A_318 : vector<16xi32>
    %mul3A_320 = arith.constant 16 : i32
    %mul3A_321 = vector.broadcast %mul3A_320 : i32 to vector<16xi32>
    %mul3A_322 = arith.muli %add3A_319, %mul3A_321 : vector<16xi32>
    %and3A_323 = arith.constant 7 : i32
    %and3A_324 = vector.broadcast %and3A_323 : i32 to vector<16xi32>
    %and3A_325 = arith.andi %add3A_309, %and3A_324 : vector<16xi32>
    %shift_left3A_326 = arith.constant 1 : i32
    %shift_left3A_327 = vector.broadcast %shift_left3A_326 : i32 to vector<16xi32>
    %shift_left3A_328 = arith.shli %and3A_325, %shift_left3A_327 : vector<16xi32>
    %add3A_329 = arith.addi %mul3A_322, %shift_left3A_328 : vector<16xi32>
    %and3A_330 = arith.constant 1 : i32
    %and3A_331 = vector.broadcast %and3A_330 : i32 to vector<16xi32>
    %and3A_332 = arith.andi %get3A_305, %and3A_331 : vector<16xi32>
    %add3A_333 = arith.addi %add3A_329, %and3A_332 : vector<16xi32>
    %swap3A_334 = arith.constant 1 : i32
    %swap3A_335 = arith.index_cast %swap3A_334 : i32 to index
    %swap3A_336 = arith.constant 0 : index
    %swap3A_337 = tpu.vector_load %arg6[%swap3A_335, %swap3A_336] {strides = array<i32>} : memref<4x128xi32, #tpu.memory_space<vmem>>, vector<1x16xi32>,
    %swap3A_338 = vector.shape_cast %swap3A_337 : vector<1x16xi32> to vector<16xi32>
    %swap3A_339 = vector.shape_cast %add3A_333 : vector<16xi32> to vector<1x16xi32>
    tpu.vector_store %arg6[%swap3A_335, %swap3A_336], %swap3A_339 {strides = array<i32>} : memref<4x128xi32, #tpu.memory_space<vmem>>, vector<1x16xi32>,
    %get3A_340 = arith.constant 144 : index
    %get3A_341 = tpu.vector_load %arg5[%get3A_340] {strides = array<i32>} : memref<512xi32, #tpu.memory_space<vmem>>, vector<16xi32>,
    %get3A_342 = vector.shape_cast %get3A_341 : vector<16xi32> to vector<16xi32>
    %add3A_343 = arith.constant 144 : i32
    %add3A_344 = arith.addi %mul3A_2, %add3A_343 : i32
    %add3A_345 = vector.broadcast %add3A_344 : i32 to vector<16xi32>
    %add3A_346 = arith.addi %add3A_345, %iota3A : vector<16xi32>
    %shift_right_arithmetic3A_347 = arith.constant 3 : i32
    %shift_right_arithmetic3A_348 = vector.broadcast %shift_right_arithmetic3A_347 : i32 to vector<16xi32>
    %shift_right_arithmetic3A_349 = arith.shrsi %add3A_346, %shift_right_arithmetic3A_348 : vector<16xi32>
    %mul3A_350 = arith.constant 13 : i32
    %mul3A_351 = vector.broadcast %mul3A_350 : i32 to vector<16xi32>
    %mul3A_352 = arith.muli %shift_right_arithmetic3A_349, %mul3A_351 : vector<16xi32>
    %shift_right_arithmetic3A_353 = arith.constant 1 : i32
    %shift_right_arithmetic3A_354 = vector.broadcast %shift_right_arithmetic3A_353 : i32 to vector<16xi32>
    %shift_right_arithmetic3A_355 = arith.shrsi %get3A_342, %shift_right_arithmetic3A_354 : vector<16xi32>
    %add3A_356 = arith.addi %mul3A_352, %shift_right_arithmetic3A_355 : vector<16xi32>
    %mul3A_357 = arith.constant 16 : i32
    %mul3A_358 = vector.broadcast %mul3A_357 : i32 to vector<16xi32>
    %mul3A_359 = arith.muli %add3A_356, %mul3A_358 : vector<16xi32>
    %and3A_360 = arith.constant 7 : i32
    %and3A_361 = vector.broadcast %and3A_360 : i32 to vector<16xi32>
    %and3A_362 = arith.andi %add3A_346, %and3A_361 : vector<16xi32>
    %shift_left3A_363 = arith.constant 1 : i32
    %shift_left3A_364 = vector.broadcast %shift_left3A_363 : i32 to vector<16xi32>
    %shift_left3A_365 = arith.shli %and3A_362, %shift_left3A_364 : vector<16xi32>
    %add3A_366 = arith.addi %mul3A_359, %shift_left3A_365 : vector<16xi32>
    %and3A_367 = arith.constant 1 : i32
    %and3A_368 = vector.broadcast %and3A_367 : i32 to vector<16xi32>
    %and3A_369 = arith.andi %get3A_342, %and3A_368 : vector<16xi32>
    %add3A_370 = arith.addi %add3A_366, %and3A_369 : vector<16xi32>
    %swap3A_371 = arith.constant 1 : i32
    %swap3A_372 = arith.index_cast %swap3A_371 : i32 to index
    %swap3A_373 = arith.constant 16 : index
    %swap3A_374 = tpu.vector_load %arg6[%swap3A_372, %swap3A_373] {strides = array<i32>} : memref<4x128xi32, #tpu.memory_space<vmem>>, vector<1x16xi32>,
    %swap3A_375 = vector.shape_cast %swap3A_374 : vector<1x16xi32> to vector<16xi32>
    %swap3A_376 = vector.shape_cast %add3A_370 : vector<16xi32> to vector<1x16xi32>
    tpu.vector_store %arg6[%swap3A_372, %swap3A_373], %swap3A_376 {strides = array<i32>} : memref<4x128xi32, #tpu.memory_space<vmem>>, vector<1x16xi32>,
    %get3A_377 = arith.constant 160 : index
    %get3A_378 = tpu.vector_load %arg5[%get3A_377] {strides = array<i32>} : memref<512xi32, #tpu.memory_space<vmem>>, vector<16xi32>,
    %get3A_379 = vector.shape_cast %get3A_378 : vector<16xi32> to vector<16xi32>
    %add3A_380 = arith.constant 160 : i32
    %add3A_381 = arith.addi %mul3A_2, %add3A_380 : i32
    %add3A_382 = vector.broadcast %add3A_381 : i32 to vector<16xi32>
    %add3A_383 = arith.addi %add3A_382, %iota3A : vector<16xi32>
    %shift_right_arithmetic3A_384 = arith.constant 3 : i32
    %shift_right_arithmetic3A_385 = vector.broadcast %shift_right_arithmetic3A_384 : i32 to vector<16xi32>
    %shift_right_arithmetic3A_386 = arith.shrsi %add3A_383, %shift_right_arithmetic3A_385 : vector<16xi32>
    %mul3A_387 = arith.constant 13 : i32
    %mul3A_388 = vector.broadcast %mul3A_387 : i32 to vector<16xi32>
    %mul3A_389 = arith.muli %shift_right_arithmetic3A_386, %mul3A_388 : vector<16xi32>
    %shift_right_arithmetic3A_390 = arith.constant 1 : i32
    %shift_right_arithmetic3A_391 = vector.broadcast %shift_right_arithmetic3A_390 : i32 to vector<16xi32>
    %shift_right_arithmetic3A_392 = arith.shrsi %get3A_379, %shift_right_arithmetic3A_391 : vector<16xi32>
    %add3A_393 = arith.addi %mul3A_389, %shift_right_arithmetic3A_392 : vector<16xi32>
    %mul3A_394 = arith.constant 16 : i32
    %mul3A_395 = vector.broadcast %mul3A_394 : i32 to vector<16xi32>
    %mul3A_396 = arith.muli %add3A_393, %mul3A_395 : vector<16xi32>
    %and3A_397 = arith.constant 7 : i32
    %and3A_398 = vector.broadcast %and3A_397 : i32 to vector<16xi32>
    %and3A_399 = arith.andi %add3A_383, %and3A_398 : vector<16xi32>
    %shift_left3A_400 = arith.constant 1 : i32
    %shift_left3A_401 = vector.broadcast %shift_left3A_400 : i32 to vector<16xi32>
    %shift_left3A_402 = arith.shli %and3A_399, %shift_left3A_401 : vector<16xi32>
    %add3A_403 = arith.addi %mul3A_396, %shift_left3A_402 : vector<16xi32>
    %and3A_404 = arith.constant 1 : i32
    %and3A_405 = vector.broadcast %and3A_404 : i32 to vector<16xi32>
    %and3A_406 = arith.andi %get3A_379, %and3A_405 : vector<16xi32>
    %add3A_407 = arith.addi %add3A_403, %and3A_406 : vector<16xi32>
    %swap3A_408 = arith.constant 1 : i32
    %swap3A_409 = arith.index_cast %swap3A_408 : i32 to index
    %swap3A_410 = arith.constant 32 : index
    %swap3A_411 = tpu.vector_load %arg6[%swap3A_409, %swap3A_410] {strides = array<i32>} : memref<4x128xi32, #tpu.memory_space<vmem>>, vector<1x16xi32>,
    %swap3A_412 = vector.shape_cast %swap3A_411 : vector<1x16xi32> to vector<16xi32>
    %swap3A_413 = vector.shape_cast %add3A_407 : vector<16xi32> to vector<1x16xi32>
    tpu.vector_store %arg6[%swap3A_409, %swap3A_410], %swap3A_413 {strides = array<i32>} : memref<4x128xi32, #tpu.memory_space<vmem>>, vector<1x16xi32>,
    %get3A_414 = arith.constant 176 : index
    %get3A_415 = tpu.vector_load %arg5[%get3A_414] {strides = array<i32>} : memref<512xi32, #tpu.memory_space<vmem>>, vector<16xi32>,
    %get3A_416 = vector.shape_cast %get3A_415 : vector<16xi32> to vector<16xi32>
    %add3A_417 = arith.constant 176 : i32
    %add3A_418 = arith.addi %mul3A_2, %add3A_417 : i32
    %add3A_419 = vector.broadcast %add3A_418 : i32 to vector<16xi32>
    %add3A_420 = arith.addi %add3A_419, %iota3A : vector<16xi32>
    %shift_right_arithmetic3A_421 = arith.constant 3 : i32
    %shift_right_arithmetic3A_422 = vector.broadcast %shift_right_arithmetic3A_421 : i32 to vector<16xi32>
    %shift_right_arithmetic3A_423 = arith.shrsi %add3A_420, %shift_right_arithmetic3A_422 : vector<16xi32>
    %mul3A_424 = arith.constant 13 : i32
    %mul3A_425 = vector.broadcast %mul3A_424 : i32 to vector<16xi32>
    %mul3A_426 = arith.muli %shift_right_arithmetic3A_423, %mul3A_425 : vector<16xi32>
    %shift_right_arithmetic3A_427 = arith.constant 1 : i32
    %shift_right_arithmetic3A_428 = vector.broadcast %shift_right_arithmetic3A_427 : i32 to vector<16xi32>
    %shift_right_arithmetic3A_429 = arith.shrsi %get3A_416, %shift_right_arithmetic3A_428 : vector<16xi32>
    %add3A_430 = arith.addi %mul3A_426, %shift_right_arithmetic3A_429 : vector<16xi32>
    %mul3A_431 = arith.constant 16 : i32
    %mul3A_432 = vector.broadcast %mul3A_431 : i32 to vector<16xi32>
    %mul3A_433 = arith.muli %add3A_430, %mul3A_432 : vector<16xi32>
    %and3A_434 = arith.constant 7 : i32
    %and3A_435 = vector.broadcast %and3A_434 : i32 to vector<16xi32>
    %and3A_436 = arith.andi %add3A_420, %and3A_435 : vector<16xi32>
    %shift_left3A_437 = arith.constant 1 : i32
    %shift_left3A_438 = vector.broadcast %shift_left3A_437 : i32 to vector<16xi32>
    %shift_left3A_439 = arith.shli %and3A_436, %shift_left3A_438 : vector<16xi32>
    %add3A_440 = arith.addi %mul3A_433, %shift_left3A_439 : vector<16xi32>
    %and3A_441 = arith.constant 1 : i32
    %and3A_442 = vector.broadcast %and3A_441 : i32 to vector<16xi32>
    %and3A_443 = arith.andi %get3A_416, %and3A_442 : vector<16xi32>
    %add3A_444 = arith.addi %add3A_440, %and3A_443 : vector<16xi32>
    %swap3A_445 = arith.constant 1 : i32
    %swap3A_446 = arith.index_cast %swap3A_445 : i32 to index
    %swap3A_447 = arith.constant 48 : index
    %swap3A_448 = tpu.vector_load %arg6[%swap3A_446, %swap3A_447] {strides = array<i32>} : memref<4x128xi32, #tpu.memory_space<vmem>>, vector<1x16xi32>,
    %swap3A_449 = vector.shape_cast %swap3A_448 : vector<1x16xi32> to vector<16xi32>
    %swap3A_450 = vector.shape_cast %add3A_444 : vector<16xi32> to vector<1x16xi32>
    tpu.vector_store %arg6[%swap3A_446, %swap3A_447], %swap3A_450 {strides = array<i32>} : memref<4x128xi32, #tpu.memory_space<vmem>>, vector<1x16xi32>,
    %get3A_451 = arith.constant 192 : index
    %get3A_452 = tpu.vector_load %arg5[%get3A_451] {strides = array<i32>} : memref<512xi32, #tpu.memory_space<vmem>>, vector<16xi32>,
    %get3A_453 = vector.shape_cast %get3A_452 : vector<16xi32> to vector<16xi32>
    %add3A_454 = arith.constant 192 : i32
    %add3A_455 = arith.addi %mul3A_2, %add3A_454 : i32
    %add3A_456 = vector.broadcast %add3A_455 : i32 to vector<16xi32>
    %add3A_457 = arith.addi %add3A_456, %iota3A : vector<16xi32>
    %shift_right_arithmetic3A_458 = arith.constant 3 : i32
    %shift_right_arithmetic3A_459 = vector.broadcast %shift_right_arithmetic3A_458 : i32 to vector<16xi32>
    %shift_right_arithmetic3A_460 = arith.shrsi %add3A_457, %shift_right_arithmetic3A_459 : vector<16xi32>
    %mul3A_461 = arith.constant 13 : i32
    %mul3A_462 = vector.broadcast %mul3A_461 : i32 to vector<16xi32>
    %mul3A_463 = arith.muli %shift_right_arithmetic3A_460, %mul3A_462 : vector<16xi32>
    %shift_right_arithmetic3A_464 = arith.constant 1 : i32
    %shift_right_arithmetic3A_465 = vector.broadcast %shift_right_arithmetic3A_464 : i32 to vector<16xi32>
    %shift_right_arithmetic3A_466 = arith.shrsi %get3A_453, %shift_right_arithmetic3A_465 : vector<16xi32>
    %add3A_467 = arith.addi %mul3A_463, %shift_right_arithmetic3A_466 : vector<16xi32>
    %mul3A_468 = arith.constant 16 : i32
    %mul3A_469 = vector.broadcast %mul3A_468 : i32 to vector<16xi32>
    %mul3A_470 = arith.muli %add3A_467, %mul3A_469 : vector<16xi32>
    %and3A_471 = arith.constant 7 : i32
    %and3A_472 = vector.broadcast %and3A_471 : i32 to vector<16xi32>
    %and3A_473 = arith.andi %add3A_457, %and3A_472 : vector<16xi32>
    %shift_left3A_474 = arith.constant 1 : i32
    %shift_left3A_475 = vector.broadcast %shift_left3A_474 : i32 to vector<16xi32>
    %shift_left3A_476 = arith.shli %and3A_473, %shift_left3A_475 : vector<16xi32>
    %add3A_477 = arith.addi %mul3A_470, %shift_left3A_476 : vector<16xi32>
    %and3A_478 = arith.constant 1 : i32
    %and3A_479 = vector.broadcast %and3A_478 : i32 to vector<16xi32>
    %and3A_480 = arith.andi %get3A_453, %and3A_479 : vector<16xi32>
    %add3A_481 = arith.addi %add3A_477, %and3A_480 : vector<16xi32>
    %swap3A_482 = arith.constant 1 : i32
    %swap3A_483 = arith.index_cast %swap3A_482 : i32 to index
    %swap3A_484 = arith.constant 64 : index
    %swap3A_485 = tpu.vector_load %arg6[%swap3A_483, %swap3A_484] {strides = array<i32>} : memref<4x128xi32, #tpu.memory_space<vmem>>, vector<1x16xi32>,
    %swap3A_486 = vector.shape_cast %swap3A_485 : vector<1x16xi32> to vector<16xi32>
    %swap3A_487 = vector.shape_cast %add3A_481 : vector<16xi32> to vector<1x16xi32>
    tpu.vector_store %arg6[%swap3A_483, %swap3A_484], %swap3A_487 {strides = array<i32>} : memref<4x128xi32, #tpu.memory_space<vmem>>, vector<1x16xi32>,
    %get3A_488 = arith.constant 208 : index
    %get3A_489 = tpu.vector_load %arg5[%get3A_488] {strides = array<i32>} : memref<512xi32, #tpu.memory_space<vmem>>, vector<16xi32>,
    %get3A_490 = vector.shape_cast %get3A_489 : vector<16xi32> to vector<16xi32>
    %add3A_491 = arith.constant 208 : i32
    %add3A_492 = arith.addi %mul3A_2, %add3A_491 : i32
    %add3A_493 = vector.broadcast %add3A_492 : i32 to vector<16xi32>
    %add3A_494 = arith.addi %add3A_493, %iota3A : vector<16xi32>
    %shift_right_arithmetic3A_495 = arith.constant 3 : i32
    %shift_right_arithmetic3A_496 = vector.broadcast %shift_right_arithmetic3A_495 : i32 to vector<16xi32>
    %shift_right_arithmetic3A_497 = arith.shrsi %add3A_494, %shift_right_arithmetic3A_496 : vector<16xi32>
    %mul3A_498 = arith.constant 13 : i32
    %mul3A_499 = vector.broadcast %mul3A_498 : i32 to vector<16xi32>
    %mul3A_500 = arith.muli %shift_right_arithmetic3A_497, %mul3A_499 : vector<16xi32>
    %shift_right_arithmetic3A_501 = arith.constant 1 : i32
    %shift_right_arithmetic3A_502 = vector.broadcast %shift_right_arithmetic3A_501 : i32 to vector<16xi32>
    %shift_right_arithmetic3A_503 = arith.shrsi %get3A_490, %shift_right_arithmetic3A_502 : vector<16xi32>
    %add3A_504 = arith.addi %mul3A_500, %shift_right_arithmetic3A_503 : vector<16xi32>
    %mul3A_505 = arith.constant 16 : i32
    %mul3A_506 = vector.broadcast %mul3A_505 : i32 to vector<16xi32>
    %mul3A_507 = arith.muli %add3A_504, %mul3A_506 : vector<16xi32>
    %and3A_508 = arith.constant 7 : i32
    %and3A_509 = vector.broadcast %and3A_508 : i32 to vector<16xi32>
    %and3A_510 = arith.andi %add3A_494, %and3A_509 : vector<16xi32>
    %shift_left3A_511 = arith.constant 1 : i32
    %shift_left3A_512 = vector.broadcast %shift_left3A_511 : i32 to vector<16xi32>
    %shift_left3A_513 = arith.shli %and3A_510, %shift_left3A_512 : vector<16xi32>
    %add3A_514 = arith.addi %mul3A_507, %shift_left3A_513 : vector<16xi32>
    %and3A_515 = arith.constant 1 : i32
    %and3A_516 = vector.broadcast %and3A_515 : i32 to vector<16xi32>
    %and3A_517 = arith.andi %get3A_490, %and3A_516 : vector<16xi32>
    %add3A_518 = arith.addi %add3A_514, %and3A_517 : vector<16xi32>
    %swap3A_519 = arith.constant 1 : i32
    %swap3A_520 = arith.index_cast %swap3A_519 : i32 to index
    %swap3A_521 = arith.constant 80 : index
    %swap3A_522 = tpu.vector_load %arg6[%swap3A_520, %swap3A_521] {strides = array<i32>} : memref<4x128xi32, #tpu.memory_space<vmem>>, vector<1x16xi32>,
    %swap3A_523 = vector.shape_cast %swap3A_522 : vector<1x16xi32> to vector<16xi32>
    %swap3A_524 = vector.shape_cast %add3A_518 : vector<16xi32> to vector<1x16xi32>
    tpu.vector_store %arg6[%swap3A_520, %swap3A_521], %swap3A_524 {strides = array<i32>} : memref<4x128xi32, #tpu.memory_space<vmem>>, vector<1x16xi32>,
    %get3A_525 = arith.constant 224 : index
    %get3A_526 = tpu.vector_load %arg5[%get3A_525] {strides = array<i32>} : memref<512xi32, #tpu.memory_space<vmem>>, vector<16xi32>,
    %get3A_527 = vector.shape_cast %get3A_526 : vector<16xi32> to vector<16xi32>
    %add3A_528 = arith.constant 224 : i32
    %add3A_529 = arith.addi %mul3A_2, %add3A_528 : i32
    %add3A_530 = vector.broadcast %add3A_529 : i32 to vector<16xi32>
    %add3A_531 = arith.addi %add3A_530, %iota3A : vector<16xi32>
    %shift_right_arithmetic3A_532 = arith.constant 3 : i32
    %shift_right_arithmetic3A_533 = vector.broadcast %shift_right_arithmetic3A_532 : i32 to vector<16xi32>
    %shift_right_arithmetic3A_534 = arith.shrsi %add3A_531, %shift_right_arithmetic3A_533 : vector<16xi32>
    %mul3A_535 = arith.constant 13 : i32
    %mul3A_536 = vector.broadcast %mul3A_535 : i32 to vector<16xi32>
    %mul3A_537 = arith.muli %shift_right_arithmetic3A_534, %mul3A_536 : vector<16xi32>
    %shift_right_arithmetic3A_538 = arith.constant 1 : i32
    %shift_right_arithmetic3A_539 = vector.broadcast %shift_right_arithmetic3A_538 : i32 to vector<16xi32>
    %shift_right_arithmetic3A_540 = arith.shrsi %get3A_527, %shift_right_arithmetic3A_539 : vector<16xi32>
    %add3A_541 = arith.addi %mul3A_537, %shift_right_arithmetic3A_540 : vector<16xi32>
    %mul3A_542 = arith.constant 16 : i32
    %mul3A_543 = vector.broadcast %mul3A_542 : i32 to vector<16xi32>
    %mul3A_544 = arith.muli %add3A_541, %mul3A_543 : vector<16xi32>
    %and3A_545 = arith.constant 7 : i32
    %and3A_546 = vector.broadcast %and3A_545 : i32 to vector<16xi32>
    %and3A_547 = arith.andi %add3A_531, %and3A_546 : vector<16xi32>
    %shift_left3A_548 = arith.constant 1 : i32
    %shift_left3A_549 = vector.broadcast %shift_left3A_548 : i32 to vector<16xi32>
    %shift_left3A_550 = arith.shli %and3A_547, %shift_left3A_549 : vector<16xi32>
    %add3A_551 = arith.addi %mul3A_544, %shift_left3A_550 : vector<16xi32>
    %and3A_552 = arith.constant 1 : i32
    %and3A_553 = vector.broadcast %and3A_552 : i32 to vector<16xi32>
    %and3A_554 = arith.andi %get3A_527, %and3A_553 : vector<16xi32>
    %add3A_555 = arith.addi %add3A_551, %and3A_554 : vector<16xi32>
    %swap3A_556 = arith.constant 1 : i32
    %swap3A_557 = arith.index_cast %swap3A_556 : i32 to index
    %swap3A_558 = arith.constant 96 : index
    %swap3A_559 = tpu.vector_load %arg6[%swap3A_557, %swap3A_558] {strides = array<i32>} : memref<4x128xi32, #tpu.memory_space<vmem>>, vector<1x16xi32>,
    %swap3A_560 = vector.shape_cast %swap3A_559 : vector<1x16xi32> to vector<16xi32>
    %swap3A_561 = vector.shape_cast %add3A_555 : vector<16xi32> to vector<1x16xi32>
    tpu.vector_store %arg6[%swap3A_557, %swap3A_558], %swap3A_561 {strides = array<i32>} : memref<4x128xi32, #tpu.memory_space<vmem>>, vector<1x16xi32>,
    %get3A_562 = arith.constant 240 : index
    %get3A_563 = tpu.vector_load %arg5[%get3A_562] {strides = array<i32>} : memref<512xi32, #tpu.memory_space<vmem>>, vector<16xi32>,
    %get3A_564 = vector.shape_cast %get3A_563 : vector<16xi32> to vector<16xi32>
    %add3A_565 = arith.constant 240 : i32
    %add3A_566 = arith.addi %mul3A_2, %add3A_565 : i32
    %add3A_567 = vector.broadcast %add3A_566 : i32 to vector<16xi32>
    %add3A_568 = arith.addi %add3A_567, %iota3A : vector<16xi32>
    %shift_right_arithmetic3A_569 = arith.constant 3 : i32
    %shift_right_arithmetic3A_570 = vector.broadcast %shift_right_arithmetic3A_569 : i32 to vector<16xi32>
    %shift_right_arithmetic3A_571 = arith.shrsi %add3A_568, %shift_right_arithmetic3A_570 : vector<16xi32>
    %mul3A_572 = arith.constant 13 : i32
    %mul3A_573 = vector.broadcast %mul3A_572 : i32 to vector<16xi32>
    %mul3A_574 = arith.muli %shift_right_arithmetic3A_571, %mul3A_573 : vector<16xi32>
    %shift_right_arithmetic3A_575 = arith.constant 1 : i32
    %shift_right_arithmetic3A_576 = vector.broadcast %shift_right_arithmetic3A_575 : i32 to vector<16xi32>
    %shift_right_arithmetic3A_577 = arith.shrsi %get3A_564, %shift_right_arithmetic3A_576 : vector<16xi32>
    %add3A_578 = arith.addi %mul3A_574, %shift_right_arithmetic3A_577 : vector<16xi32>
    %mul3A_579 = arith.constant 16 : i32
    %mul3A_580 = vector.broadcast %mul3A_579 : i32 to vector<16xi32>
    %mul3A_581 = arith.muli %add3A_578, %mul3A_580 : vector<16xi32>
    %and3A_582 = arith.constant 7 : i32
    %and3A_583 = vector.broadcast %and3A_582 : i32 to vector<16xi32>
    %and3A_584 = arith.andi %add3A_568, %and3A_583 : vector<16xi32>
    %shift_left3A_585 = arith.constant 1 : i32
    %shift_left3A_586 = vector.broadcast %shift_left3A_585 : i32 to vector<16xi32>
    %shift_left3A_587 = arith.shli %and3A_584, %shift_left3A_586 : vector<16xi32>
    %add3A_588 = arith.addi %mul3A_581, %shift_left3A_587 : vector<16xi32>
    %and3A_589 = arith.constant 1 : i32
    %and3A_590 = vector.broadcast %and3A_589 : i32 to vector<16xi32>
    %and3A_591 = arith.andi %get3A_564, %and3A_590 : vector<16xi32>
    %add3A_592 = arith.addi %add3A_588, %and3A_591 : vector<16xi32>
    %swap3A_593 = arith.constant 1 : i32
    %swap3A_594 = arith.index_cast %swap3A_593 : i32 to index
    %swap3A_595 = arith.constant 112 : index
    %swap3A_596 = tpu.vector_load %arg6[%swap3A_594, %swap3A_595] {strides = array<i32>} : memref<4x128xi32, #tpu.memory_space<vmem>>, vector<1x16xi32>,
    %swap3A_597 = vector.shape_cast %swap3A_596 : vector<1x16xi32> to vector<16xi32>
    %swap3A_598 = vector.shape_cast %add3A_592 : vector<16xi32> to vector<1x16xi32>
    tpu.vector_store %arg6[%swap3A_594, %swap3A_595], %swap3A_598 {strides = array<i32>} : memref<4x128xi32, #tpu.memory_space<vmem>>, vector<1x16xi32>,
    %dma_start3A_599 = arith.constant 1 : i32
    %dma_start3A_600 = arith.constant 128 : i32
    %dma_start3A_601 = arith.constant 0 : i32
    %dma_start3A_602 = tpu.memref_slice %arg7[%dma_start3A_600, %dma_start3A_601] : memref<512x64xf32, #tpu.memory_space<vmem>> -> memref<128x64xf32, #tpu.memory_space<vmem>>
    %dma_start3A_603 = arith.constant 0 : i32
    %dma_start3A_604 = tpu.memref_slice %arg6[%dma_start3A_599, %dma_start3A_603] : memref<4x128xi32, #tpu.memory_space<vmem>> -> memref<1x128xi32, #tpu.memory_space<vmem>>
    %dma_start3A_605 = tpu.memref_squeeze %dma_start3A_604 : memref<1x128xi32, #tpu.memory_space<vmem>> -> memref<128xi32, #tpu.memory_space<vmem>>
    %dma_start3A_606 = arith.constant 0 : i32
    %dma_start3A_607 = arith.constant 0 : i32
    %dma_start3A_608 = tpu.memref_slice %arg2[%dma_start3A_606, %dma_start3A_607] : memref<425984x64xf32, #tpu.memory_space<hbm>> -> memref<425984x64xf32, #tpu.memory_space<hbm>>
    tpu.enqueue_indirect_dma source(%dma_start3A_608 : memref<425984x64xf32, #tpu.memory_space<hbm>>) target(%dma_start3A_602 : memref<128x64xf32, #tpu.memory_space<vmem>>) offsets(%dma_start3A_605 : memref<128xi32, #tpu.memory_space<vmem>>) semaphore(%arg8 : memref<!tpu.dma_semaphore, #tpu.memory_space<semaphore_mem>>)
    %get3A_609 = arith.constant 256 : index
    %get3A_610 = tpu.vector_load %arg5[%get3A_609] {strides = array<i32>} : memref<512xi32, #tpu.memory_space<vmem>>, vector<16xi32>,
    %get3A_611 = vector.shape_cast %get3A_610 : vector<16xi32> to vector<16xi32>
    %add3A_612 = arith.constant 256 : i32
    %add3A_613 = arith.addi %mul3A_2, %add3A_612 : i32
    %add3A_614 = vector.broadcast %add3A_613 : i32 to vector<16xi32>
    %add3A_615 = arith.addi %add3A_614, %iota3A : vector<16xi32>
    %shift_right_arithmetic3A_616 = arith.constant 3 : i32
    %shift_right_arithmetic3A_617 = vector.broadcast %shift_right_arithmetic3A_616 : i32 to vector<16xi32>
    %shift_right_arithmetic3A_618 = arith.shrsi %add3A_615, %shift_right_arithmetic3A_617 : vector<16xi32>
    %mul3A_619 = arith.constant 13 : i32
    %mul3A_620 = vector.broadcast %mul3A_619 : i32 to vector<16xi32>
    %mul3A_621 = arith.muli %shift_right_arithmetic3A_618, %mul3A_620 : vector<16xi32>
    %shift_right_arithmetic3A_622 = arith.constant 1 : i32
    %shift_right_arithmetic3A_623 = vector.broadcast %shift_right_arithmetic3A_622 : i32 to vector<16xi32>
    %shift_right_arithmetic3A_624 = arith.shrsi %get3A_611, %shift_right_arithmetic3A_623 : vector<16xi32>
    %add3A_625 = arith.addi %mul3A_621, %shift_right_arithmetic3A_624 : vector<16xi32>
    %mul3A_626 = arith.constant 16 : i32
    %mul3A_627 = vector.broadcast %mul3A_626 : i32 to vector<16xi32>
    %mul3A_628 = arith.muli %add3A_625, %mul3A_627 : vector<16xi32>
    %and3A_629 = arith.constant 7 : i32
    %and3A_630 = vector.broadcast %and3A_629 : i32 to vector<16xi32>
    %and3A_631 = arith.andi %add3A_615, %and3A_630 : vector<16xi32>
    %shift_left3A_632 = arith.constant 1 : i32
    %shift_left3A_633 = vector.broadcast %shift_left3A_632 : i32 to vector<16xi32>
    %shift_left3A_634 = arith.shli %and3A_631, %shift_left3A_633 : vector<16xi32>
    %add3A_635 = arith.addi %mul3A_628, %shift_left3A_634 : vector<16xi32>
    %and3A_636 = arith.constant 1 : i32
    %and3A_637 = vector.broadcast %and3A_636 : i32 to vector<16xi32>
    %and3A_638 = arith.andi %get3A_611, %and3A_637 : vector<16xi32>
    %add3A_639 = arith.addi %add3A_635, %and3A_638 : vector<16xi32>
    %swap3A_640 = arith.constant 2 : i32
    %swap3A_641 = arith.index_cast %swap3A_640 : i32 to index
    %swap3A_642 = arith.constant 0 : index
    %swap3A_643 = tpu.vector_load %arg6[%swap3A_641, %swap3A_642] {strides = array<i32>} : memref<4x128xi32, #tpu.memory_space<vmem>>, vector<1x16xi32>,
    %swap3A_644 = vector.shape_cast %swap3A_643 : vector<1x16xi32> to vector<16xi32>
    %swap3A_645 = vector.shape_cast %add3A_639 : vector<16xi32> to vector<1x16xi32>
    tpu.vector_store %arg6[%swap3A_641, %swap3A_642], %swap3A_645 {strides = array<i32>} : memref<4x128xi32, #tpu.memory_space<vmem>>, vector<1x16xi32>,
    %get3A_646 = arith.constant 272 : index
    %get3A_647 = tpu.vector_load %arg5[%get3A_646] {strides = array<i32>} : memref<512xi32, #tpu.memory_space<vmem>>, vector<16xi32>,
    %get3A_648 = vector.shape_cast %get3A_647 : vector<16xi32> to vector<16xi32>
    %add3A_649 = arith.constant 272 : i32
    %add3A_650 = arith.addi %mul3A_2, %add3A_649 : i32
    %add3A_651 = vector.broadcast %add3A_650 : i32 to vector<16xi32>
    %add3A_652 = arith.addi %add3A_651, %iota3A : vector<16xi32>
    %shift_right_arithmetic3A_653 = arith.constant 3 : i32
    %shift_right_arithmetic3A_654 = vector.broadcast %shift_right_arithmetic3A_653 : i32 to vector<16xi32>
    %shift_right_arithmetic3A_655 = arith.shrsi %add3A_652, %shift_right_arithmetic3A_654 : vector<16xi32>
    %mul3A_656 = arith.constant 13 : i32
    %mul3A_657 = vector.broadcast %mul3A_656 : i32 to vector<16xi32>
    %mul3A_658 = arith.muli %shift_right_arithmetic3A_655, %mul3A_657 : vector<16xi32>
    %shift_right_arithmetic3A_659 = arith.constant 1 : i32
    %shift_right_arithmetic3A_660 = vector.broadcast %shift_right_arithmetic3A_659 : i32 to vector<16xi32>
    %shift_right_arithmetic3A_661 = arith.shrsi %get3A_648, %shift_right_arithmetic3A_660 : vector<16xi32>
    %add3A_662 = arith.addi %mul3A_658, %shift_right_arithmetic3A_661 : vector<16xi32>
    %mul3A_663 = arith.constant 16 : i32
    %mul3A_664 = vector.broadcast %mul3A_663 : i32 to vector<16xi32>
    %mul3A_665 = arith.muli %add3A_662, %mul3A_664 : vector<16xi32>
    %and3A_666 = arith.constant 7 : i32
    %and3A_667 = vector.broadcast %and3A_666 : i32 to vector<16xi32>
    %and3A_668 = arith.andi %add3A_652, %and3A_667 : vector<16xi32>
    %shift_left3A_669 = arith.constant 1 : i32
    %shift_left3A_670 = vector.broadcast %shift_left3A_669 : i32 to vector<16xi32>
    %shift_left3A_671 = arith.shli %and3A_668, %shift_left3A_670 : vector<16xi32>
    %add3A_672 = arith.addi %mul3A_665, %shift_left3A_671 : vector<16xi32>
    %and3A_673 = arith.constant 1 : i32
    %and3A_674 = vector.broadcast %and3A_673 : i32 to vector<16xi32>
    %and3A_675 = arith.andi %get3A_648, %and3A_674 : vector<16xi32>
    %add3A_676 = arith.addi %add3A_672, %and3A_675 : vector<16xi32>
    %swap3A_677 = arith.constant 2 : i32
    %swap3A_678 = arith.index_cast %swap3A_677 : i32 to index
    %swap3A_679 = arith.constant 16 : index
    %swap3A_680 = tpu.vector_load %arg6[%swap3A_678, %swap3A_679] {strides = array<i32>} : memref<4x128xi32, #tpu.memory_space<vmem>>, vector<1x16xi32>,
    %swap3A_681 = vector.shape_cast %swap3A_680 : vector<1x16xi32> to vector<16xi32>
    %swap3A_682 = vector.shape_cast %add3A_676 : vector<16xi32> to vector<1x16xi32>
    tpu.vector_store %arg6[%swap3A_678, %swap3A_679], %swap3A_682 {strides = array<i32>} : memref<4x128xi32, #tpu.memory_space<vmem>>, vector<1x16xi32>,
    %get3A_683 = arith.constant 288 : index
    %get3A_684 = tpu.vector_load %arg5[%get3A_683] {strides = array<i32>} : memref<512xi32, #tpu.memory_space<vmem>>, vector<16xi32>,
    %get3A_685 = vector.shape_cast %get3A_684 : vector<16xi32> to vector<16xi32>
    %add3A_686 = arith.constant 288 : i32
    %add3A_687 = arith.addi %mul3A_2, %add3A_686 : i32
    %add3A_688 = vector.broadcast %add3A_687 : i32 to vector<16xi32>
    %add3A_689 = arith.addi %add3A_688, %iota3A : vector<16xi32>
    %shift_right_arithmetic3A_690 = arith.constant 3 : i32
    %shift_right_arithmetic3A_691 = vector.broadcast %shift_right_arithmetic3A_690 : i32 to vector<16xi32>
    %shift_right_arithmetic3A_692 = arith.shrsi %add3A_689, %shift_right_arithmetic3A_691 : vector<16xi32>
    %mul3A_693 = arith.constant 13 : i32
    %mul3A_694 = vector.broadcast %mul3A_693 : i32 to vector<16xi32>
    %mul3A_695 = arith.muli %shift_right_arithmetic3A_692, %mul3A_694 : vector<16xi32>
    %shift_right_arithmetic3A_696 = arith.constant 1 : i32
    %shift_right_arithmetic3A_697 = vector.broadcast %shift_right_arithmetic3A_696 : i32 to vector<16xi32>
    %shift_right_arithmetic3A_698 = arith.shrsi %get3A_685, %shift_right_arithmetic3A_697 : vector<16xi32>
    %add3A_699 = arith.addi %mul3A_695, %shift_right_arithmetic3A_698 : vector<16xi32>
    %mul3A_700 = arith.constant 16 : i32
    %mul3A_701 = vector.broadcast %mul3A_700 : i32 to vector<16xi32>
    %mul3A_702 = arith.muli %add3A_699, %mul3A_701 : vector<16xi32>
    %and3A_703 = arith.constant 7 : i32
    %and3A_704 = vector.broadcast %and3A_703 : i32 to vector<16xi32>
    %and3A_705 = arith.andi %add3A_689, %and3A_704 : vector<16xi32>
    %shift_left3A_706 = arith.constant 1 : i32
    %shift_left3A_707 = vector.broadcast %shift_left3A_706 : i32 to vector<16xi32>
    %shift_left3A_708 = arith.shli %and3A_705, %shift_left3A_707 : vector<16xi32>
    %add3A_709 = arith.addi %mul3A_702, %shift_left3A_708 : vector<16xi32>
    %and3A_710 = arith.constant 1 : i32
    %and3A_711 = vector.broadcast %and3A_710 : i32 to vector<16xi32>
    %and3A_712 = arith.andi %get3A_685, %and3A_711 : vector<16xi32>
    %add3A_713 = arith.addi %add3A_709, %and3A_712 : vector<16xi32>
    %swap3A_714 = arith.constant 2 : i32
    %swap3A_715 = arith.index_cast %swap3A_714 : i32 to index
    %swap3A_716 = arith.constant 32 : index
    %swap3A_717 = tpu.vector_load %arg6[%swap3A_715, %swap3A_716] {strides = array<i32>} : memref<4x128xi32, #tpu.memory_space<vmem>>, vector<1x16xi32>,
    %swap3A_718 = vector.shape_cast %swap3A_717 : vector<1x16xi32> to vector<16xi32>
    %swap3A_719 = vector.shape_cast %add3A_713 : vector<16xi32> to vector<1x16xi32>
    tpu.vector_store %arg6[%swap3A_715, %swap3A_716], %swap3A_719 {strides = array<i32>} : memref<4x128xi32, #tpu.memory_space<vmem>>, vector<1x16xi32>,
    %get3A_720 = arith.constant 304 : index
    %get3A_721 = tpu.vector_load %arg5[%get3A_720] {strides = array<i32>} : memref<512xi32, #tpu.memory_space<vmem>>, vector<16xi32>,
    %get3A_722 = vector.shape_cast %get3A_721 : vector<16xi32> to vector<16xi32>
    %add3A_723 = arith.constant 304 : i32
    %add3A_724 = arith.addi %mul3A_2, %add3A_723 : i32
    %add3A_725 = vector.broadcast %add3A_724 : i32 to vector<16xi32>
    %add3A_726 = arith.addi %add3A_725, %iota3A : vector<16xi32>
    %shift_right_arithmetic3A_727 = arith.constant 3 : i32
    %shift_right_arithmetic3A_728 = vector.broadcast %shift_right_arithmetic3A_727 : i32 to vector<16xi32>
    %shift_right_arithmetic3A_729 = arith.shrsi %add3A_726, %shift_right_arithmetic3A_728 : vector<16xi32>
    %mul3A_730 = arith.constant 13 : i32
    %mul3A_731 = vector.broadcast %mul3A_730 : i32 to vector<16xi32>
    %mul3A_732 = arith.muli %shift_right_arithmetic3A_729, %mul3A_731 : vector<16xi32>
    %shift_right_arithmetic3A_733 = arith.constant 1 : i32
    %shift_right_arithmetic3A_734 = vector.broadcast %shift_right_arithmetic3A_733 : i32 to vector<16xi32>
    %shift_right_arithmetic3A_735 = arith.shrsi %get3A_722, %shift_right_arithmetic3A_734 : vector<16xi32>
    %add3A_736 = arith.addi %mul3A_732, %shift_right_arithmetic3A_735 : vector<16xi32>
    %mul3A_737 = arith.constant 16 : i32
    %mul3A_738 = vector.broadcast %mul3A_737 : i32 to vector<16xi32>
    %mul3A_739 = arith.muli %add3A_736, %mul3A_738 : vector<16xi32>
    %and3A_740 = arith.constant 7 : i32
    %and3A_741 = vector.broadcast %and3A_740 : i32 to vector<16xi32>
    %and3A_742 = arith.andi %add3A_726, %and3A_741 : vector<16xi32>
    %shift_left3A_743 = arith.constant 1 : i32
    %shift_left3A_744 = vector.broadcast %shift_left3A_743 : i32 to vector<16xi32>
    %shift_left3A_745 = arith.shli %and3A_742, %shift_left3A_744 : vector<16xi32>
    %add3A_746 = arith.addi %mul3A_739, %shift_left3A_745 : vector<16xi32>
    %and3A_747 = arith.constant 1 : i32
    %and3A_748 = vector.broadcast %and3A_747 : i32 to vector<16xi32>
    %and3A_749 = arith.andi %get3A_722, %and3A_748 : vector<16xi32>
    %add3A_750 = arith.addi %add3A_746, %and3A_749 : vector<16xi32>
    %swap3A_751 = arith.constant 2 : i32
    %swap3A_752 = arith.index_cast %swap3A_751 : i32 to index
    %swap3A_753 = arith.constant 48 : index
    %swap3A_754 = tpu.vector_load %arg6[%swap3A_752, %swap3A_753] {strides = array<i32>} : memref<4x128xi32, #tpu.memory_space<vmem>>, vector<1x16xi32>,
    %swap3A_755 = vector.shape_cast %swap3A_754 : vector<1x16xi32> to vector<16xi32>
    %swap3A_756 = vector.shape_cast %add3A_750 : vector<16xi32> to vector<1x16xi32>
    tpu.vector_store %arg6[%swap3A_752, %swap3A_753], %swap3A_756 {strides = array<i32>} : memref<4x128xi32, #tpu.memory_space<vmem>>, vector<1x16xi32>,
    %get3A_757 = arith.constant 320 : index
    %get3A_758 = tpu.vector_load %arg5[%get3A_757] {strides = array<i32>} : memref<512xi32, #tpu.memory_space<vmem>>, vector<16xi32>,
    %get3A_759 = vector.shape_cast %get3A_758 : vector<16xi32> to vector<16xi32>
    %add3A_760 = arith.constant 320 : i32
    %add3A_761 = arith.addi %mul3A_2, %add3A_760 : i32
    %add3A_762 = vector.broadcast %add3A_761 : i32 to vector<16xi32>
    %add3A_763 = arith.addi %add3A_762, %iota3A : vector<16xi32>
    %shift_right_arithmetic3A_764 = arith.constant 3 : i32
    %shift_right_arithmetic3A_765 = vector.broadcast %shift_right_arithmetic3A_764 : i32 to vector<16xi32>
    %shift_right_arithmetic3A_766 = arith.shrsi %add3A_763, %shift_right_arithmetic3A_765 : vector<16xi32>
    %mul3A_767 = arith.constant 13 : i32
    %mul3A_768 = vector.broadcast %mul3A_767 : i32 to vector<16xi32>
    %mul3A_769 = arith.muli %shift_right_arithmetic3A_766, %mul3A_768 : vector<16xi32>
    %shift_right_arithmetic3A_770 = arith.constant 1 : i32
    %shift_right_arithmetic3A_771 = vector.broadcast %shift_right_arithmetic3A_770 : i32 to vector<16xi32>
    %shift_right_arithmetic3A_772 = arith.shrsi %get3A_759, %shift_right_arithmetic3A_771 : vector<16xi32>
    %add3A_773 = arith.addi %mul3A_769, %shift_right_arithmetic3A_772 : vector<16xi32>
    %mul3A_774 = arith.constant 16 : i32
    %mul3A_775 = vector.broadcast %mul3A_774 : i32 to vector<16xi32>
    %mul3A_776 = arith.muli %add3A_773, %mul3A_775 : vector<16xi32>
    %and3A_777 = arith.constant 7 : i32
    %and3A_778 = vector.broadcast %and3A_777 : i32 to vector<16xi32>
    %and3A_779 = arith.andi %add3A_763, %and3A_778 : vector<16xi32>
    %shift_left3A_780 = arith.constant 1 : i32
    %shift_left3A_781 = vector.broadcast %shift_left3A_780 : i32 to vector<16xi32>
    %shift_left3A_782 = arith.shli %and3A_779, %shift_left3A_781 : vector<16xi32>
    %add3A_783 = arith.addi %mul3A_776, %shift_left3A_782 : vector<16xi32>
    %and3A_784 = arith.constant 1 : i32
    %and3A_785 = vector.broadcast %and3A_784 : i32 to vector<16xi32>
    %and3A_786 = arith.andi %get3A_759, %and3A_785 : vector<16xi32>
    %add3A_787 = arith.addi %add3A_783, %and3A_786 : vector<16xi32>
    %swap3A_788 = arith.constant 2 : i32
    %swap3A_789 = arith.index_cast %swap3A_788 : i32 to index
    %swap3A_790 = arith.constant 64 : index
    %swap3A_791 = tpu.vector_load %arg6[%swap3A_789, %swap3A_790] {strides = array<i32>} : memref<4x128xi32, #tpu.memory_space<vmem>>, vector<1x16xi32>,
    %swap3A_792 = vector.shape_cast %swap3A_791 : vector<1x16xi32> to vector<16xi32>
    %swap3A_793 = vector.shape_cast %add3A_787 : vector<16xi32> to vector<1x16xi32>
    tpu.vector_store %arg6[%swap3A_789, %swap3A_790], %swap3A_793 {strides = array<i32>} : memref<4x128xi32, #tpu.memory_space<vmem>>, vector<1x16xi32>,
    %get3A_794 = arith.constant 336 : index
    %get3A_795 = tpu.vector_load %arg5[%get3A_794] {strides = array<i32>} : memref<512xi32, #tpu.memory_space<vmem>>, vector<16xi32>,
    %get3A_796 = vector.shape_cast %get3A_795 : vector<16xi32> to vector<16xi32>
    %add3A_797 = arith.constant 336 : i32
    %add3A_798 = arith.addi %mul3A_2, %add3A_797 : i32
    %add3A_799 = vector.broadcast %add3A_798 : i32 to vector<16xi32>
    %add3A_800 = arith.addi %add3A_799, %iota3A : vector<16xi32>
    %shift_right_arithmetic3A_801 = arith.constant 3 : i32
    %shift_right_arithmetic3A_802 = vector.broadcast %shift_right_arithmetic3A_801 : i32 to vector<16xi32>
    %shift_right_arithmetic3A_803 = arith.shrsi %add3A_800, %shift_right_arithmetic3A_802 : vector<16xi32>
    %mul3A_804 = arith.constant 13 : i32
    %mul3A_805 = vector.broadcast %mul3A_804 : i32 to vector<16xi32>
    %mul3A_806 = arith.muli %shift_right_arithmetic3A_803, %mul3A_805 : vector<16xi32>
    %shift_right_arithmetic3A_807 = arith.constant 1 : i32
    %shift_right_arithmetic3A_808 = vector.broadcast %shift_right_arithmetic3A_807 : i32 to vector<16xi32>
    %shift_right_arithmetic3A_809 = arith.shrsi %get3A_796, %shift_right_arithmetic3A_808 : vector<16xi32>
    %add3A_810 = arith.addi %mul3A_806, %shift_right_arithmetic3A_809 : vector<16xi32>
    %mul3A_811 = arith.constant 16 : i32
    %mul3A_812 = vector.broadcast %mul3A_811 : i32 to vector<16xi32>
    %mul3A_813 = arith.muli %add3A_810, %mul3A_812 : vector<16xi32>
    %and3A_814 = arith.constant 7 : i32
    %and3A_815 = vector.broadcast %and3A_814 : i32 to vector<16xi32>
    %and3A_816 = arith.andi %add3A_800, %and3A_815 : vector<16xi32>
    %shift_left3A_817 = arith.constant 1 : i32
    %shift_left3A_818 = vector.broadcast %shift_left3A_817 : i32 to vector<16xi32>
    %shift_left3A_819 = arith.shli %and3A_816, %shift_left3A_818 : vector<16xi32>
    %add3A_820 = arith.addi %mul3A_813, %shift_left3A_819 : vector<16xi32>
    %and3A_821 = arith.constant 1 : i32
    %and3A_822 = vector.broadcast %and3A_821 : i32 to vector<16xi32>
    %and3A_823 = arith.andi %get3A_796, %and3A_822 : vector<16xi32>
    %add3A_824 = arith.addi %add3A_820, %and3A_823 : vector<16xi32>
    %swap3A_825 = arith.constant 2 : i32
    %swap3A_826 = arith.index_cast %swap3A_825 : i32 to index
    %swap3A_827 = arith.constant 80 : index
    %swap3A_828 = tpu.vector_load %arg6[%swap3A_826, %swap3A_827] {strides = array<i32>} : memref<4x128xi32, #tpu.memory_space<vmem>>, vector<1x16xi32>,
    %swap3A_829 = vector.shape_cast %swap3A_828 : vector<1x16xi32> to vector<16xi32>
    %swap3A_830 = vector.shape_cast %add3A_824 : vector<16xi32> to vector<1x16xi32>
    tpu.vector_store %arg6[%swap3A_826, %swap3A_827], %swap3A_830 {strides = array<i32>} : memref<4x128xi32, #tpu.memory_space<vmem>>, vector<1x16xi32>,
    %get3A_831 = arith.constant 352 : index
    %get3A_832 = tpu.vector_load %arg5[%get3A_831] {strides = array<i32>} : memref<512xi32, #tpu.memory_space<vmem>>, vector<16xi32>,
    %get3A_833 = vector.shape_cast %get3A_832 : vector<16xi32> to vector<16xi32>
    %add3A_834 = arith.constant 352 : i32
    %add3A_835 = arith.addi %mul3A_2, %add3A_834 : i32
    %add3A_836 = vector.broadcast %add3A_835 : i32 to vector<16xi32>
    %add3A_837 = arith.addi %add3A_836, %iota3A : vector<16xi32>
    %shift_right_arithmetic3A_838 = arith.constant 3 : i32
    %shift_right_arithmetic3A_839 = vector.broadcast %shift_right_arithmetic3A_838 : i32 to vector<16xi32>
    %shift_right_arithmetic3A_840 = arith.shrsi %add3A_837, %shift_right_arithmetic3A_839 : vector<16xi32>
    %mul3A_841 = arith.constant 13 : i32
    %mul3A_842 = vector.broadcast %mul3A_841 : i32 to vector<16xi32>
    %mul3A_843 = arith.muli %shift_right_arithmetic3A_840, %mul3A_842 : vector<16xi32>
    %shift_right_arithmetic3A_844 = arith.constant 1 : i32
    %shift_right_arithmetic3A_845 = vector.broadcast %shift_right_arithmetic3A_844 : i32 to vector<16xi32>
    %shift_right_arithmetic3A_846 = arith.shrsi %get3A_833, %shift_right_arithmetic3A_845 : vector<16xi32>
    %add3A_847 = arith.addi %mul3A_843, %shift_right_arithmetic3A_846 : vector<16xi32>
    %mul3A_848 = arith.constant 16 : i32
    %mul3A_849 = vector.broadcast %mul3A_848 : i32 to vector<16xi32>
    %mul3A_850 = arith.muli %add3A_847, %mul3A_849 : vector<16xi32>
    %and3A_851 = arith.constant 7 : i32
    %and3A_852 = vector.broadcast %and3A_851 : i32 to vector<16xi32>
    %and3A_853 = arith.andi %add3A_837, %and3A_852 : vector<16xi32>
    %shift_left3A_854 = arith.constant 1 : i32
    %shift_left3A_855 = vector.broadcast %shift_left3A_854 : i32 to vector<16xi32>
    %shift_left3A_856 = arith.shli %and3A_853, %shift_left3A_855 : vector<16xi32>
    %add3A_857 = arith.addi %mul3A_850, %shift_left3A_856 : vector<16xi32>
    %and3A_858 = arith.constant 1 : i32
    %and3A_859 = vector.broadcast %and3A_858 : i32 to vector<16xi32>
    %and3A_860 = arith.andi %get3A_833, %and3A_859 : vector<16xi32>
    %add3A_861 = arith.addi %add3A_857, %and3A_860 : vector<16xi32>
    %swap3A_862 = arith.constant 2 : i32
    %swap3A_863 = arith.index_cast %swap3A_862 : i32 to index
    %swap3A_864 = arith.constant 96 : index
    %swap3A_865 = tpu.vector_load %arg6[%swap3A_863, %swap3A_864] {strides = array<i32>} : memref<4x128xi32, #tpu.memory_space<vmem>>, vector<1x16xi32>,
    %swap3A_866 = vector.shape_cast %swap3A_865 : vector<1x16xi32> to vector<16xi32>
    %swap3A_867 = vector.shape_cast %add3A_861 : vector<16xi32> to vector<1x16xi32>
    tpu.vector_store %arg6[%swap3A_863, %swap3A_864], %swap3A_867 {strides = array<i32>} : memref<4x128xi32, #tpu.memory_space<vmem>>, vector<1x16xi32>,
    %get3A_868 = arith.constant 368 : index
    %get3A_869 = tpu.vector_load %arg5[%get3A_868] {strides = array<i32>} : memref<512xi32, #tpu.memory_space<vmem>>, vector<16xi32>,
    %get3A_870 = vector.shape_cast %get3A_869 : vector<16xi32> to vector<16xi32>
    %add3A_871 = arith.constant 368 : i32
    %add3A_872 = arith.addi %mul3A_2, %add3A_871 : i32
    %add3A_873 = vector.broadcast %add3A_872 : i32 to vector<16xi32>
    %add3A_874 = arith.addi %add3A_873, %iota3A : vector<16xi32>
    %shift_right_arithmetic3A_875 = arith.constant 3 : i32
    %shift_right_arithmetic3A_876 = vector.broadcast %shift_right_arithmetic3A_875 : i32 to vector<16xi32>
    %shift_right_arithmetic3A_877 = arith.shrsi %add3A_874, %shift_right_arithmetic3A_876 : vector<16xi32>
    %mul3A_878 = arith.constant 13 : i32
    %mul3A_879 = vector.broadcast %mul3A_878 : i32 to vector<16xi32>
    %mul3A_880 = arith.muli %shift_right_arithmetic3A_877, %mul3A_879 : vector<16xi32>
    %shift_right_arithmetic3A_881 = arith.constant 1 : i32
    %shift_right_arithmetic3A_882 = vector.broadcast %shift_right_arithmetic3A_881 : i32 to vector<16xi32>
    %shift_right_arithmetic3A_883 = arith.shrsi %get3A_870, %shift_right_arithmetic3A_882 : vector<16xi32>
    %add3A_884 = arith.addi %mul3A_880, %shift_right_arithmetic3A_883 : vector<16xi32>
    %mul3A_885 = arith.constant 16 : i32
    %mul3A_886 = vector.broadcast %mul3A_885 : i32 to vector<16xi32>
    %mul3A_887 = arith.muli %add3A_884, %mul3A_886 : vector<16xi32>
    %and3A_888 = arith.constant 7 : i32
    %and3A_889 = vector.broadcast %and3A_888 : i32 to vector<16xi32>
    %and3A_890 = arith.andi %add3A_874, %and3A_889 : vector<16xi32>
    %shift_left3A_891 = arith.constant 1 : i32
    %shift_left3A_892 = vector.broadcast %shift_left3A_891 : i32 to vector<16xi32>
    %shift_left3A_893 = arith.shli %and3A_890, %shift_left3A_892 : vector<16xi32>
    %add3A_894 = arith.addi %mul3A_887, %shift_left3A_893 : vector<16xi32>
    %and3A_895 = arith.constant 1 : i32
    %and3A_896 = vector.broadcast %and3A_895 : i32 to vector<16xi32>
    %and3A_897 = arith.andi %get3A_870, %and3A_896 : vector<16xi32>
    %add3A_898 = arith.addi %add3A_894, %and3A_897 : vector<16xi32>
    %swap3A_899 = arith.constant 2 : i32
    %swap3A_900 = arith.index_cast %swap3A_899 : i32 to index
    %swap3A_901 = arith.constant 112 : index
    %swap3A_902 = tpu.vector_load %arg6[%swap3A_900, %swap3A_901] {strides = array<i32>} : memref<4x128xi32, #tpu.memory_space<vmem>>, vector<1x16xi32>,
    %swap3A_903 = vector.shape_cast %swap3A_902 : vector<1x16xi32> to vector<16xi32>
    %swap3A_904 = vector.shape_cast %add3A_898 : vector<16xi32> to vector<1x16xi32>
    tpu.vector_store %arg6[%swap3A_900, %swap3A_901], %swap3A_904 {strides = array<i32>} : memref<4x128xi32, #tpu.memory_space<vmem>>, vector<1x16xi32>,
    %dma_start3A_905 = arith.constant 2 : i32
    %dma_start3A_906 = arith.constant 256 : i32
    %dma_start3A_907 = arith.constant 0 : i32
    %dma_start3A_908 = tpu.memref_slice %arg7[%dma_start3A_906, %dma_start3A_907] : memref<512x64xf32, #tpu.memory_space<vmem>> -> memref<128x64xf32, #tpu.memory_space<vmem>>
    %dma_start3A_909 = arith.constant 0 : i32
    %dma_start3A_910 = tpu.memref_slice %arg6[%dma_start3A_905, %dma_start3A_909] : memref<4x128xi32, #tpu.memory_space<vmem>> -> memref<1x128xi32, #tpu.memory_space<vmem>>
    %dma_start3A_911 = tpu.memref_squeeze %dma_start3A_910 : memref<1x128xi32, #tpu.memory_space<vmem>> -> memref<128xi32, #tpu.memory_space<vmem>>
    %dma_start3A_912 = arith.constant 0 : i32
    %dma_start3A_913 = arith.constant 0 : i32
    %dma_start3A_914 = tpu.memref_slice %arg2[%dma_start3A_912, %dma_start3A_913] : memref<425984x64xf32, #tpu.memory_space<hbm>> -> memref<425984x64xf32, #tpu.memory_space<hbm>>
    tpu.enqueue_indirect_dma source(%dma_start3A_914 : memref<425984x64xf32, #tpu.memory_space<hbm>>) target(%dma_start3A_908 : memref<128x64xf32, #tpu.memory_space<vmem>>) offsets(%dma_start3A_911 : memref<128xi32, #tpu.memory_space<vmem>>) semaphore(%arg8 : memref<!tpu.dma_semaphore, #tpu.memory_space<semaphore_mem>>)
    %get3A_915 = arith.constant 384 : index
    %get3A_916 = tpu.vector_load %arg5[%get3A_915] {strides = array<i32>} : memref<512xi32, #tpu.memory_space<vmem>>, vector<16xi32>,
    %get3A_917 = vector.shape_cast %get3A_916 : vector<16xi32> to vector<16xi32>
    %add3A_918 = arith.constant 384 : i32
    %add3A_919 = arith.addi %mul3A_2, %add3A_918 : i32
    %add3A_920 = vector.broadcast %add3A_919 : i32 to vector<16xi32>
    %add3A_921 = arith.addi %add3A_920, %iota3A : vector<16xi32>
    %shift_right_arithmetic3A_922 = arith.constant 3 : i32
    %shift_right_arithmetic3A_923 = vector.broadcast %shift_right_arithmetic3A_922 : i32 to vector<16xi32>
    %shift_right_arithmetic3A_924 = arith.shrsi %add3A_921, %shift_right_arithmetic3A_923 : vector<16xi32>
    %mul3A_925 = arith.constant 13 : i32
    %mul3A_926 = vector.broadcast %mul3A_925 : i32 to vector<16xi32>
    %mul3A_927 = arith.muli %shift_right_arithmetic3A_924, %mul3A_926 : vector<16xi32>
    %shift_right_arithmetic3A_928 = arith.constant 1 : i32
    %shift_right_arithmetic3A_929 = vector.broadcast %shift_right_arithmetic3A_928 : i32 to vector<16xi32>
    %shift_right_arithmetic3A_930 = arith.shrsi %get3A_917, %shift_right_arithmetic3A_929 : vector<16xi32>
    %add3A_931 = arith.addi %mul3A_927, %shift_right_arithmetic3A_930 : vector<16xi32>
    %mul3A_932 = arith.constant 16 : i32
    %mul3A_933 = vector.broadcast %mul3A_932 : i32 to vector<16xi32>
    %mul3A_934 = arith.muli %add3A_931, %mul3A_933 : vector<16xi32>
    %and3A_935 = arith.constant 7 : i32
    %and3A_936 = vector.broadcast %and3A_935 : i32 to vector<16xi32>
    %and3A_937 = arith.andi %add3A_921, %and3A_936 : vector<16xi32>
    %shift_left3A_938 = arith.constant 1 : i32
    %shift_left3A_939 = vector.broadcast %shift_left3A_938 : i32 to vector<16xi32>
    %shift_left3A_940 = arith.shli %and3A_937, %shift_left3A_939 : vector<16xi32>
    %add3A_941 = arith.addi %mul3A_934, %shift_left3A_940 : vector<16xi32>
    %and3A_942 = arith.constant 1 : i32
    %and3A_943 = vector.broadcast %and3A_942 : i32 to vector<16xi32>
    %and3A_944 = arith.andi %get3A_917, %and3A_943 : vector<16xi32>
    %add3A_945 = arith.addi %add3A_941, %and3A_944 : vector<16xi32>
    %swap3A_946 = arith.constant 3 : i32
    %swap3A_947 = arith.index_cast %swap3A_946 : i32 to index
    %swap3A_948 = arith.constant 0 : index
    %swap3A_949 = tpu.vector_load %arg6[%swap3A_947, %swap3A_948] {strides = array<i32>} : memref<4x128xi32, #tpu.memory_space<vmem>>, vector<1x16xi32>,
    %swap3A_950 = vector.shape_cast %swap3A_949 : vector<1x16xi32> to vector<16xi32>
    %swap3A_951 = vector.shape_cast %add3A_945 : vector<16xi32> to vector<1x16xi32>
    tpu.vector_store %arg6[%swap3A_947, %swap3A_948], %swap3A_951 {strides = array<i32>} : memref<4x128xi32, #tpu.memory_space<vmem>>, vector<1x16xi32>,
    %get3A_952 = arith.constant 400 : index
    %get3A_953 = tpu.vector_load %arg5[%get3A_952] {strides = array<i32>} : memref<512xi32, #tpu.memory_space<vmem>>, vector<16xi32>,
    %get3A_954 = vector.shape_cast %get3A_953 : vector<16xi32> to vector<16xi32>
    %add3A_955 = arith.constant 400 : i32
    %add3A_956 = arith.addi %mul3A_2, %add3A_955 : i32
    %add3A_957 = vector.broadcast %add3A_956 : i32 to vector<16xi32>
    %add3A_958 = arith.addi %add3A_957, %iota3A : vector<16xi32>
    %shift_right_arithmetic3A_959 = arith.constant 3 : i32
    %shift_right_arithmetic3A_960 = vector.broadcast %shift_right_arithmetic3A_959 : i32 to vector<16xi32>
    %shift_right_arithmetic3A_961 = arith.shrsi %add3A_958, %shift_right_arithmetic3A_960 : vector<16xi32>
    %mul3A_962 = arith.constant 13 : i32
    %mul3A_963 = vector.broadcast %mul3A_962 : i32 to vector<16xi32>
    %mul3A_964 = arith.muli %shift_right_arithmetic3A_961, %mul3A_963 : vector<16xi32>
    %shift_right_arithmetic3A_965 = arith.constant 1 : i32
    %shift_right_arithmetic3A_966 = vector.broadcast %shift_right_arithmetic3A_965 : i32 to vector<16xi32>
    %shift_right_arithmetic3A_967 = arith.shrsi %get3A_954, %shift_right_arithmetic3A_966 : vector<16xi32>
    %add3A_968 = arith.addi %mul3A_964, %shift_right_arithmetic3A_967 : vector<16xi32>
    %mul3A_969 = arith.constant 16 : i32
    %mul3A_970 = vector.broadcast %mul3A_969 : i32 to vector<16xi32>
    %mul3A_971 = arith.muli %add3A_968, %mul3A_970 : vector<16xi32>
    %and3A_972 = arith.constant 7 : i32
    %and3A_973 = vector.broadcast %and3A_972 : i32 to vector<16xi32>
    %and3A_974 = arith.andi %add3A_958, %and3A_973 : vector<16xi32>
    %shift_left3A_975 = arith.constant 1 : i32
    %shift_left3A_976 = vector.broadcast %shift_left3A_975 : i32 to vector<16xi32>
    %shift_left3A_977 = arith.shli %and3A_974, %shift_left3A_976 : vector<16xi32>
    %add3A_978 = arith.addi %mul3A_971, %shift_left3A_977 : vector<16xi32>
    %and3A_979 = arith.constant 1 : i32
    %and3A_980 = vector.broadcast %and3A_979 : i32 to vector<16xi32>
    %and3A_981 = arith.andi %get3A_954, %and3A_980 : vector<16xi32>
    %add3A_982 = arith.addi %add3A_978, %and3A_981 : vector<16xi32>
    %swap3A_983 = arith.constant 3 : i32
    %swap3A_984 = arith.index_cast %swap3A_983 : i32 to index
    %swap3A_985 = arith.constant 16 : index
    %swap3A_986 = tpu.vector_load %arg6[%swap3A_984, %swap3A_985] {strides = array<i32>} : memref<4x128xi32, #tpu.memory_space<vmem>>, vector<1x16xi32>,
    %swap3A_987 = vector.shape_cast %swap3A_986 : vector<1x16xi32> to vector<16xi32>
    %swap3A_988 = vector.shape_cast %add3A_982 : vector<16xi32> to vector<1x16xi32>
    tpu.vector_store %arg6[%swap3A_984, %swap3A_985], %swap3A_988 {strides = array<i32>} : memref<4x128xi32, #tpu.memory_space<vmem>>, vector<1x16xi32>,
    %get3A_989 = arith.constant 416 : index
    %get3A_990 = tpu.vector_load %arg5[%get3A_989] {strides = array<i32>} : memref<512xi32, #tpu.memory_space<vmem>>, vector<16xi32>,
    %get3A_991 = vector.shape_cast %get3A_990 : vector<16xi32> to vector<16xi32>
    %add3A_992 = arith.constant 416 : i32
    %add3A_993 = arith.addi %mul3A_2, %add3A_992 : i32
    %add3A_994 = vector.broadcast %add3A_993 : i32 to vector<16xi32>
    %add3A_995 = arith.addi %add3A_994, %iota3A : vector<16xi32>
    %shift_right_arithmetic3A_996 = arith.constant 3 : i32
    %shift_right_arithmetic3A_997 = vector.broadcast %shift_right_arithmetic3A_996 : i32 to vector<16xi32>
    %shift_right_arithmetic3A_998 = arith.shrsi %add3A_995, %shift_right_arithmetic3A_997 : vector<16xi32>
    %mul3A_999 = arith.constant 13 : i32
    %mul3A_1000 = vector.broadcast %mul3A_999 : i32 to vector<16xi32>
    %mul3A_1001 = arith.muli %shift_right_arithmetic3A_998, %mul3A_1000 : vector<16xi32>
    %shift_right_arithmetic3A_1002 = arith.constant 1 : i32
    %shift_right_arithmetic3A_1003 = vector.broadcast %shift_right_arithmetic3A_1002 : i32 to vector<16xi32>
    %shift_right_arithmetic3A_1004 = arith.shrsi %get3A_991, %shift_right_arithmetic3A_1003 : vector<16xi32>
    %add3A_1005 = arith.addi %mul3A_1001, %shift_right_arithmetic3A_1004 : vector<16xi32>
    %mul3A_1006 = arith.constant 16 : i32
    %mul3A_1007 = vector.broadcast %mul3A_1006 : i32 to vector<16xi32>
    %mul3A_1008 = arith.muli %add3A_1005, %mul3A_1007 : vector<16xi32>
    %and3A_1009 = arith.constant 7 : i32
    %and3A_1010 = vector.broadcast %and3A_1009 : i32 to vector<16xi32>
    %and3A_1011 = arith.andi %add3A_995, %and3A_1010 : vector<16xi32>
    %shift_left3A_1012 = arith.constant 1 : i32
    %shift_left3A_1013 = vector.broadcast %shift_left3A_1012 : i32 to vector<16xi32>
    %shift_left3A_1014 = arith.shli %and3A_1011, %shift_left3A_1013 : vector<16xi32>
    %add3A_1015 = arith.addi %mul3A_1008, %shift_left3A_1014 : vector<16xi32>
    %and3A_1016 = arith.constant 1 : i32
    %and3A_1017 = vector.broadcast %and3A_1016 : i32 to vector<16xi32>
    %and3A_1018 = arith.andi %get3A_991, %and3A_1017 : vector<16xi32>
    %add3A_1019 = arith.addi %add3A_1015, %and3A_1018 : vector<16xi32>
    %swap3A_1020 = arith.constant 3 : i32
    %swap3A_1021 = arith.index_cast %swap3A_1020 : i32 to index
    %swap3A_1022 = arith.constant 32 : index
    %swap3A_1023 = tpu.vector_load %arg6[%swap3A_1021, %swap3A_1022] {strides = array<i32>} : memref<4x128xi32, #tpu.memory_space<vmem>>, vector<1x16xi32>,
    %swap3A_1024 = vector.shape_cast %swap3A_1023 : vector<1x16xi32> to vector<16xi32>
    %swap3A_1025 = vector.shape_cast %add3A_1019 : vector<16xi32> to vector<1x16xi32>
    tpu.vector_store %arg6[%swap3A_1021, %swap3A_1022], %swap3A_1025 {strides = array<i32>} : memref<4x128xi32, #tpu.memory_space<vmem>>, vector<1x16xi32>,
    %get3A_1026 = arith.constant 432 : index
    %get3A_1027 = tpu.vector_load %arg5[%get3A_1026] {strides = array<i32>} : memref<512xi32, #tpu.memory_space<vmem>>, vector<16xi32>,
    %get3A_1028 = vector.shape_cast %get3A_1027 : vector<16xi32> to vector<16xi32>
    %add3A_1029 = arith.constant 432 : i32
    %add3A_1030 = arith.addi %mul3A_2, %add3A_1029 : i32
    %add3A_1031 = vector.broadcast %add3A_1030 : i32 to vector<16xi32>
    %add3A_1032 = arith.addi %add3A_1031, %iota3A : vector<16xi32>
    %shift_right_arithmetic3A_1033 = arith.constant 3 : i32
    %shift_right_arithmetic3A_1034 = vector.broadcast %shift_right_arithmetic3A_1033 : i32 to vector<16xi32>
    %shift_right_arithmetic3A_1035 = arith.shrsi %add3A_1032, %shift_right_arithmetic3A_1034 : vector<16xi32>
    %mul3A_1036 = arith.constant 13 : i32
    %mul3A_1037 = vector.broadcast %mul3A_1036 : i32 to vector<16xi32>
    %mul3A_1038 = arith.muli %shift_right_arithmetic3A_1035, %mul3A_1037 : vector<16xi32>
    %shift_right_arithmetic3A_1039 = arith.constant 1 : i32
    %shift_right_arithmetic3A_1040 = vector.broadcast %shift_right_arithmetic3A_1039 : i32 to vector<16xi32>
    %shift_right_arithmetic3A_1041 = arith.shrsi %get3A_1028, %shift_right_arithmetic3A_1040 : vector<16xi32>
    %add3A_1042 = arith.addi %mul3A_1038, %shift_right_arithmetic3A_1041 : vector<16xi32>
    %mul3A_1043 = arith.constant 16 : i32
    %mul3A_1044 = vector.broadcast %mul3A_1043 : i32 to vector<16xi32>
    %mul3A_1045 = arith.muli %add3A_1042, %mul3A_1044 : vector<16xi32>
    %and3A_1046 = arith.constant 7 : i32
    %and3A_1047 = vector.broadcast %and3A_1046 : i32 to vector<16xi32>
    %and3A_1048 = arith.andi %add3A_1032, %and3A_1047 : vector<16xi32>
    %shift_left3A_1049 = arith.constant 1 : i32
    %shift_left3A_1050 = vector.broadcast %shift_left3A_1049 : i32 to vector<16xi32>
    %shift_left3A_1051 = arith.shli %and3A_1048, %shift_left3A_1050 : vector<16xi32>
    %add3A_1052 = arith.addi %mul3A_1045, %shift_left3A_1051 : vector<16xi32>
    %and3A_1053 = arith.constant 1 : i32
    %and3A_1054 = vector.broadcast %and3A_1053 : i32 to vector<16xi32>
    %and3A_1055 = arith.andi %get3A_1028, %and3A_1054 : vector<16xi32>
    %add3A_1056 = arith.addi %add3A_1052, %and3A_1055 : vector<16xi32>
    %swap3A_1057 = arith.constant 3 : i32
    %swap3A_1058 = arith.index_cast %swap3A_1057 : i32 to index
    %swap3A_1059 = arith.constant 48 : index
    %swap3A_1060 = tpu.vector_load %arg6[%swap3A_1058, %swap3A_1059] {strides = array<i32>} : memref<4x128xi32, #tpu.memory_space<vmem>>, vector<1x16xi32>,
    %swap3A_1061 = vector.shape_cast %swap3A_1060 : vector<1x16xi32> to vector<16xi32>
    %swap3A_1062 = vector.shape_cast %add3A_1056 : vector<16xi32> to vector<1x16xi32>
    tpu.vector_store %arg6[%swap3A_1058, %swap3A_1059], %swap3A_1062 {strides = array<i32>} : memref<4x128xi32, #tpu.memory_space<vmem>>, vector<1x16xi32>,
    %get3A_1063 = arith.constant 448 : index
    %get3A_1064 = tpu.vector_load %arg5[%get3A_1063] {strides = array<i32>} : memref<512xi32, #tpu.memory_space<vmem>>, vector<16xi32>,
    %get3A_1065 = vector.shape_cast %get3A_1064 : vector<16xi32> to vector<16xi32>
    %add3A_1066 = arith.constant 448 : i32
    %add3A_1067 = arith.addi %mul3A_2, %add3A_1066 : i32
    %add3A_1068 = vector.broadcast %add3A_1067 : i32 to vector<16xi32>
    %add3A_1069 = arith.addi %add3A_1068, %iota3A : vector<16xi32>
    %shift_right_arithmetic3A_1070 = arith.constant 3 : i32
    %shift_right_arithmetic3A_1071 = vector.broadcast %shift_right_arithmetic3A_1070 : i32 to vector<16xi32>
    %shift_right_arithmetic3A_1072 = arith.shrsi %add3A_1069, %shift_right_arithmetic3A_1071 : vector<16xi32>
    %mul3A_1073 = arith.constant 13 : i32
    %mul3A_1074 = vector.broadcast %mul3A_1073 : i32 to vector<16xi32>
    %mul3A_1075 = arith.muli %shift_right_arithmetic3A_1072, %mul3A_1074 : vector<16xi32>
    %shift_right_arithmetic3A_1076 = arith.constant 1 : i32
    %shift_right_arithmetic3A_1077 = vector.broadcast %shift_right_arithmetic3A_1076 : i32 to vector<16xi32>
    %shift_right_arithmetic3A_1078 = arith.shrsi %get3A_1065, %shift_right_arithmetic3A_1077 : vector<16xi32>
    %add3A_1079 = arith.addi %mul3A_1075, %shift_right_arithmetic3A_1078 : vector<16xi32>
    %mul3A_1080 = arith.constant 16 : i32
    %mul3A_1081 = vector.broadcast %mul3A_1080 : i32 to vector<16xi32>
    %mul3A_1082 = arith.muli %add3A_1079, %mul3A_1081 : vector<16xi32>
    %and3A_1083 = arith.constant 7 : i32
    %and3A_1084 = vector.broadcast %and3A_1083 : i32 to vector<16xi32>
    %and3A_1085 = arith.andi %add3A_1069, %and3A_1084 : vector<16xi32>
    %shift_left3A_1086 = arith.constant 1 : i32
    %shift_left3A_1087 = vector.broadcast %shift_left3A_1086 : i32 to vector<16xi32>
    %shift_left3A_1088 = arith.shli %and3A_1085, %shift_left3A_1087 : vector<16xi32>
    %add3A_1089 = arith.addi %mul3A_1082, %shift_left3A_1088 : vector<16xi32>
    %and3A_1090 = arith.constant 1 : i32
    %and3A_1091 = vector.broadcast %and3A_1090 : i32 to vector<16xi32>
    %and3A_1092 = arith.andi %get3A_1065, %and3A_1091 : vector<16xi32>
    %add3A_1093 = arith.addi %add3A_1089, %and3A_1092 : vector<16xi32>
    %swap3A_1094 = arith.constant 3 : i32
    %swap3A_1095 = arith.index_cast %swap3A_1094 : i32 to index
    %swap3A_1096 = arith.constant 64 : index
    %swap3A_1097 = tpu.vector_load %arg6[%swap3A_1095, %swap3A_1096] {strides = array<i32>} : memref<4x128xi32, #tpu.memory_space<vmem>>, vector<1x16xi32>,
    %swap3A_1098 = vector.shape_cast %swap3A_1097 : vector<1x16xi32> to vector<16xi32>
    %swap3A_1099 = vector.shape_cast %add3A_1093 : vector<16xi32> to vector<1x16xi32>
    tpu.vector_store %arg6[%swap3A_1095, %swap3A_1096], %swap3A_1099 {strides = array<i32>} : memref<4x128xi32, #tpu.memory_space<vmem>>, vector<1x16xi32>,
    %get3A_1100 = arith.constant 464 : index
    %get3A_1101 = tpu.vector_load %arg5[%get3A_1100] {strides = array<i32>} : memref<512xi32, #tpu.memory_space<vmem>>, vector<16xi32>,
    %get3A_1102 = vector.shape_cast %get3A_1101 : vector<16xi32> to vector<16xi32>
    %add3A_1103 = arith.constant 464 : i32
    %add3A_1104 = arith.addi %mul3A_2, %add3A_1103 : i32
    %add3A_1105 = vector.broadcast %add3A_1104 : i32 to vector<16xi32>
    %add3A_1106 = arith.addi %add3A_1105, %iota3A : vector<16xi32>
    %shift_right_arithmetic3A_1107 = arith.constant 3 : i32
    %shift_right_arithmetic3A_1108 = vector.broadcast %shift_right_arithmetic3A_1107 : i32 to vector<16xi32>
    %shift_right_arithmetic3A_1109 = arith.shrsi %add3A_1106, %shift_right_arithmetic3A_1108 : vector<16xi32>
    %mul3A_1110 = arith.constant 13 : i32
    %mul3A_1111 = vector.broadcast %mul3A_1110 : i32 to vector<16xi32>
    %mul3A_1112 = arith.muli %shift_right_arithmetic3A_1109, %mul3A_1111 : vector<16xi32>
    %shift_right_arithmetic3A_1113 = arith.constant 1 : i32
    %shift_right_arithmetic3A_1114 = vector.broadcast %shift_right_arithmetic3A_1113 : i32 to vector<16xi32>
    %shift_right_arithmetic3A_1115 = arith.shrsi %get3A_1102, %shift_right_arithmetic3A_1114 : vector<16xi32>
    %add3A_1116 = arith.addi %mul3A_1112, %shift_right_arithmetic3A_1115 : vector<16xi32>
    %mul3A_1117 = arith.constant 16 : i32
    %mul3A_1118 = vector.broadcast %mul3A_1117 : i32 to vector<16xi32>
    %mul3A_1119 = arith.muli %add3A_1116, %mul3A_1118 : vector<16xi32>
    %and3A_1120 = arith.constant 7 : i32
    %and3A_1121 = vector.broadcast %and3A_1120 : i32 to vector<16xi32>
    %and3A_1122 = arith.andi %add3A_1106, %and3A_1121 : vector<16xi32>
    %shift_left3A_1123 = arith.constant 1 : i32
    %shift_left3A_1124 = vector.broadcast %shift_left3A_1123 : i32 to vector<16xi32>
    %shift_left3A_1125 = arith.shli %and3A_1122, %shift_left3A_1124 : vector<16xi32>
    %add3A_1126 = arith.addi %mul3A_1119, %shift_left3A_1125 : vector<16xi32>
    %and3A_1127 = arith.constant 1 : i32
    %and3A_1128 = vector.broadcast %and3A_1127 : i32 to vector<16xi32>
    %and3A_1129 = arith.andi %get3A_1102, %and3A_1128 : vector<16xi32>
    %add3A_1130 = arith.addi %add3A_1126, %and3A_1129 : vector<16xi32>
    %swap3A_1131 = arith.constant 3 : i32
    %swap3A_1132 = arith.index_cast %swap3A_1131 : i32 to index
    %swap3A_1133 = arith.constant 80 : index
    %swap3A_1134 = tpu.vector_load %arg6[%swap3A_1132, %swap3A_1133] {strides = array<i32>} : memref<4x128xi32, #tpu.memory_space<vmem>>, vector<1x16xi32>,
    %swap3A_1135 = vector.shape_cast %swap3A_1134 : vector<1x16xi32> to vector<16xi32>
    %swap3A_1136 = vector.shape_cast %add3A_1130 : vector<16xi32> to vector<1x16xi32>
    tpu.vector_store %arg6[%swap3A_1132, %swap3A_1133], %swap3A_1136 {strides = array<i32>} : memref<4x128xi32, #tpu.memory_space<vmem>>, vector<1x16xi32>,
    %get3A_1137 = arith.constant 480 : index
    %get3A_1138 = tpu.vector_load %arg5[%get3A_1137] {strides = array<i32>} : memref<512xi32, #tpu.memory_space<vmem>>, vector<16xi32>,
    %get3A_1139 = vector.shape_cast %get3A_1138 : vector<16xi32> to vector<16xi32>
    %add3A_1140 = arith.constant 480 : i32
    %add3A_1141 = arith.addi %mul3A_2, %add3A_1140 : i32
    %add3A_1142 = vector.broadcast %add3A_1141 : i32 to vector<16xi32>
    %add3A_1143 = arith.addi %add3A_1142, %iota3A : vector<16xi32>
    %shift_right_arithmetic3A_1144 = arith.constant 3 : i32
    %shift_right_arithmetic3A_1145 = vector.broadcast %shift_right_arithmetic3A_1144 : i32 to vector<16xi32>
    %shift_right_arithmetic3A_1146 = arith.shrsi %add3A_1143, %shift_right_arithmetic3A_1145 : vector<16xi32>
    %mul3A_1147 = arith.constant 13 : i32
    %mul3A_1148 = vector.broadcast %mul3A_1147 : i32 to vector<16xi32>
    %mul3A_1149 = arith.muli %shift_right_arithmetic3A_1146, %mul3A_1148 : vector<16xi32>
    %shift_right_arithmetic3A_1150 = arith.constant 1 : i32
    %shift_right_arithmetic3A_1151 = vector.broadcast %shift_right_arithmetic3A_1150 : i32 to vector<16xi32>
    %shift_right_arithmetic3A_1152 = arith.shrsi %get3A_1139, %shift_right_arithmetic3A_1151 : vector<16xi32>
    %add3A_1153 = arith.addi %mul3A_1149, %shift_right_arithmetic3A_1152 : vector<16xi32>
    %mul3A_1154 = arith.constant 16 : i32
    %mul3A_1155 = vector.broadcast %mul3A_1154 : i32 to vector<16xi32>
    %mul3A_1156 = arith.muli %add3A_1153, %mul3A_1155 : vector<16xi32>
    %and3A_1157 = arith.constant 7 : i32
    %and3A_1158 = vector.broadcast %and3A_1157 : i32 to vector<16xi32>
    %and3A_1159 = arith.andi %add3A_1143, %and3A_1158 : vector<16xi32>
    %shift_left3A_1160 = arith.constant 1 : i32
    %shift_left3A_1161 = vector.broadcast %shift_left3A_1160 : i32 to vector<16xi32>
    %shift_left3A_1162 = arith.shli %and3A_1159, %shift_left3A_1161 : vector<16xi32>
    %add3A_1163 = arith.addi %mul3A_1156, %shift_left3A_1162 : vector<16xi32>
    %and3A_1164 = arith.constant 1 : i32
    %and3A_1165 = vector.broadcast %and3A_1164 : i32 to vector<16xi32>
    %and3A_1166 = arith.andi %get3A_1139, %and3A_1165 : vector<16xi32>
    %add3A_1167 = arith.addi %add3A_1163, %and3A_1166 : vector<16xi32>
    %swap3A_1168 = arith.constant 3 : i32
    %swap3A_1169 = arith.index_cast %swap3A_1168 : i32 to index
    %swap3A_1170 = arith.constant 96 : index
    %swap3A_1171 = tpu.vector_load %arg6[%swap3A_1169, %swap3A_1170] {strides = array<i32>} : memref<4x128xi32, #tpu.memory_space<vmem>>, vector<1x16xi32>,
    %swap3A_1172 = vector.shape_cast %swap3A_1171 : vector<1x16xi32> to vector<16xi32>
    %swap3A_1173 = vector.shape_cast %add3A_1167 : vector<16xi32> to vector<1x16xi32>
    tpu.vector_store %arg6[%swap3A_1169, %swap3A_1170], %swap3A_1173 {strides = array<i32>} : memref<4x128xi32, #tpu.memory_space<vmem>>, vector<1x16xi32>,
    %get3A_1174 = arith.constant 496 : index
    %get3A_1175 = tpu.vector_load %arg5[%get3A_1174] {strides = array<i32>} : memref<512xi32, #tpu.memory_space<vmem>>, vector<16xi32>,
    %get3A_1176 = vector.shape_cast %get3A_1175 : vector<16xi32> to vector<16xi32>
    %add3A_1177 = arith.constant 496 : i32
    %add3A_1178 = arith.addi %mul3A_2, %add3A_1177 : i32
    %add3A_1179 = vector.broadcast %add3A_1178 : i32 to vector<16xi32>
    %add3A_1180 = arith.addi %add3A_1179, %iota3A : vector<16xi32>
    %shift_right_arithmetic3A_1181 = arith.constant 3 : i32
    %shift_right_arithmetic3A_1182 = vector.broadcast %shift_right_arithmetic3A_1181 : i32 to vector<16xi32>
    %shift_right_arithmetic3A_1183 = arith.shrsi %add3A_1180, %shift_right_arithmetic3A_1182 : vector<16xi32>
    %mul3A_1184 = arith.constant 13 : i32
    %mul3A_1185 = vector.broadcast %mul3A_1184 : i32 to vector<16xi32>
    %mul3A_1186 = arith.muli %shift_right_arithmetic3A_1183, %mul3A_1185 : vector<16xi32>
    %shift_right_arithmetic3A_1187 = arith.constant 1 : i32
    %shift_right_arithmetic3A_1188 = vector.broadcast %shift_right_arithmetic3A_1187 : i32 to vector<16xi32>
    %shift_right_arithmetic3A_1189 = arith.shrsi %get3A_1176, %shift_right_arithmetic3A_1188 : vector<16xi32>
    %add3A_1190 = arith.addi %mul3A_1186, %shift_right_arithmetic3A_1189 : vector<16xi32>
    %mul3A_1191 = arith.constant 16 : i32
    %mul3A_1192 = vector.broadcast %mul3A_1191 : i32 to vector<16xi32>
    %mul3A_1193 = arith.muli %add3A_1190, %mul3A_1192 : vector<16xi32>
    %and3A_1194 = arith.constant 7 : i32
    %and3A_1195 = vector.broadcast %and3A_1194 : i32 to vector<16xi32>
    %and3A_1196 = arith.andi %add3A_1180, %and3A_1195 : vector<16xi32>
    %shift_left3A_1197 = arith.constant 1 : i32
    %shift_left3A_1198 = vector.broadcast %shift_left3A_1197 : i32 to vector<16xi32>
    %shift_left3A_1199 = arith.shli %and3A_1196, %shift_left3A_1198 : vector<16xi32>
    %add3A_1200 = arith.addi %mul3A_1193, %shift_left3A_1199 : vector<16xi32>
    %and3A_1201 = arith.constant 1 : i32
    %and3A_1202 = vector.broadcast %and3A_1201 : i32 to vector<16xi32>
    %and3A_1203 = arith.andi %get3A_1176, %and3A_1202 : vector<16xi32>
    %add3A_1204 = arith.addi %add3A_1200, %and3A_1203 : vector<16xi32>
    %swap3A_1205 = arith.constant 3 : i32
    %swap3A_1206 = arith.index_cast %swap3A_1205 : i32 to index
    %swap3A_1207 = arith.constant 112 : index
    %swap3A_1208 = tpu.vector_load %arg6[%swap3A_1206, %swap3A_1207] {strides = array<i32>} : memref<4x128xi32, #tpu.memory_space<vmem>>, vector<1x16xi32>,
    %swap3A_1209 = vector.shape_cast %swap3A_1208 : vector<1x16xi32> to vector<16xi32>
    %swap3A_1210 = vector.shape_cast %add3A_1204 : vector<16xi32> to vector<1x16xi32>
    tpu.vector_store %arg6[%swap3A_1206, %swap3A_1207], %swap3A_1210 {strides = array<i32>} : memref<4x128xi32, #tpu.memory_space<vmem>>, vector<1x16xi32>,
    %dma_start3A_1211 = arith.constant 3 : i32
    %dma_start3A_1212 = arith.constant 384 : i32
    %dma_start3A_1213 = arith.constant 0 : i32
    %dma_start3A_1214 = tpu.memref_slice %arg7[%dma_start3A_1212, %dma_start3A_1213] : memref<512x64xf32, #tpu.memory_space<vmem>> -> memref<128x64xf32, #tpu.memory_space<vmem>>
    %dma_start3A_1215 = arith.constant 0 : i32
    %dma_start3A_1216 = tpu.memref_slice %arg6[%dma_start3A_1211, %dma_start3A_1215] : memref<4x128xi32, #tpu.memory_space<vmem>> -> memref<1x128xi32, #tpu.memory_space<vmem>>
    %dma_start3A_1217 = tpu.memref_squeeze %dma_start3A_1216 : memref<1x128xi32, #tpu.memory_space<vmem>> -> memref<128xi32, #tpu.memory_space<vmem>>
    %dma_start3A_1218 = arith.constant 0 : i32
    %dma_start3A_1219 = arith.constant 0 : i32
    %dma_start3A_1220 = tpu.memref_slice %arg2[%dma_start3A_1218, %dma_start3A_1219] : memref<425984x64xf32, #tpu.memory_space<hbm>> -> memref<425984x64xf32, #tpu.memory_space<hbm>>
    tpu.enqueue_indirect_dma source(%dma_start3A_1220 : memref<425984x64xf32, #tpu.memory_space<hbm>>) target(%dma_start3A_1214 : memref<128x64xf32, #tpu.memory_space<vmem>>) offsets(%dma_start3A_1217 : memref<128xi32, #tpu.memory_space<vmem>>) semaphore(%arg8 : memref<!tpu.dma_semaphore, #tpu.memory_space<semaphore_mem>>)
    %dma_wait3A = arith.constant 0 : i32
    %dma_wait3A_1221 = arith.constant 0 : i32
    %dma_wait3A_1222 = arith.constant 0 : i32
    %dma_wait3A_1223 = tpu.memref_slice %arg7[%dma_wait3A_1221, %dma_wait3A_1222] : memref<512x64xf32, #tpu.memory_space<vmem>> -> memref<128x64xf32, #tpu.memory_space<vmem>>
    %dma_wait3A_1224 = arith.constant 0 : i32
    %dma_wait3A_1225 = tpu.memref_slice %arg6[%dma_wait3A, %dma_wait3A_1224] : memref<4x128xi32, #tpu.memory_space<vmem>> -> memref<1x128xi32, #tpu.memory_space<vmem>>
    %dma_wait3A_1226 = tpu.memref_squeeze %dma_wait3A_1225 : memref<1x128xi32, #tpu.memory_space<vmem>> -> memref<128xi32, #tpu.memory_space<vmem>>
    %dma_wait3A_1227 = arith.constant 0 : i32
    %dma_wait3A_1228 = arith.constant 0 : i32
    %dma_wait3A_1229 = tpu.memref_slice %arg2[%dma_wait3A_1227, %dma_wait3A_1228] : memref<425984x64xf32, #tpu.memory_space<hbm>> -> memref<425984x64xf32, #tpu.memory_space<hbm>>
    tpu.wait_indirect_dma semaphore(%arg8 : memref<!tpu.dma_semaphore, #tpu.memory_space<semaphore_mem>>) src(%dma_wait3A_1229 : memref<425984x64xf32, #tpu.memory_space<hbm>>) dst(%dma_wait3A_1223 : memref<128x64xf32, #tpu.memory_space<vmem>>)
    %add3A_1230 = arith.constant 0 : i32
    %add3A_1231 = arith.addi %mul3A_2, %add3A_1230 : i32
    %dma_start3A_1232 = arith.constant 0 : i32
    %dma_start3A_1233 = arith.constant 0 : i32
    %dma_start3A_1234 = tpu.memref_slice %arg7[%dma_start3A_1232, %dma_start3A_1233] : memref<512x64xf32, #tpu.memory_space<vmem>> -> memref<128x64xf32, #tpu.memory_space<vmem>>
    %dma_start3A_1235 = arith.constant 0 : i32
    %dma_start3A_1236 = tpu.memref_slice %arg4[%add3A_1231, %dma_start3A_1235] : memref<16384x128xf32, #tpu.memory_space<hbm>> -> memref<128x64xf32, #tpu.memory_space<hbm>>
    %dma_start3A_1237 = arith.constant 0 : i32
    %dma_start3A_1238 = tpu.memref_slice %arg4[%add3A_1231, %dma_start3A_1237] : memref<16384x128xf32, #tpu.memory_space<hbm>> -> memref<128x64xf32, #tpu.memory_space<hbm>>
    %dma_start3A_1239 = arith.constant 0 : i32
    %dma_start3A_1240 = arith.constant 0 : i32
    %dma_start3A_1241 = tpu.memref_slice %arg7[%dma_start3A_1239, %dma_start3A_1240] : memref<512x64xf32, #tpu.memory_space<vmem>> -> memref<128x64xf32, #tpu.memory_space<vmem>>
    tpu.enqueue_dma source(%dma_start3A_1241 : memref<128x64xf32, #tpu.memory_space<vmem>>) target(%dma_start3A_1238 : memref<128x64xf32, #tpu.memory_space<hbm>>) target_semaphore(%arg9 : memref<!tpu.dma_semaphore, #tpu.memory_space<semaphore_mem>>)
    %dma_wait3A_1242 = arith.constant 1 : i32
    %dma_wait3A_1243 = arith.constant 128 : i32
    %dma_wait3A_1244 = arith.constant 0 : i32
    %dma_wait3A_1245 = tpu.memref_slice %arg7[%dma_wait3A_1243, %dma_wait3A_1244] : memref<512x64xf32, #tpu.memory_space<vmem>> -> memref<128x64xf32, #tpu.memory_space<vmem>>
    %dma_wait3A_1246 = arith.constant 0 : i32
    %dma_wait3A_1247 = tpu.memref_slice %arg6[%dma_wait3A_1242, %dma_wait3A_1246] : memref<4x128xi32, #tpu.memory_space<vmem>> -> memref<1x128xi32, #tpu.memory_space<vmem>>
    %dma_wait3A_1248 = tpu.memref_squeeze %dma_wait3A_1247 : memref<1x128xi32, #tpu.memory_space<vmem>> -> memref<128xi32, #tpu.memory_space<vmem>>
    %dma_wait3A_1249 = arith.constant 0 : i32
    %dma_wait3A_1250 = arith.constant 0 : i32
    %dma_wait3A_1251 = tpu.memref_slice %arg2[%dma_wait3A_1249, %dma_wait3A_1250] : memref<425984x64xf32, #tpu.memory_space<hbm>> -> memref<425984x64xf32, #tpu.memory_space<hbm>>
    tpu.wait_indirect_dma semaphore(%arg8 : memref<!tpu.dma_semaphore, #tpu.memory_space<semaphore_mem>>) src(%dma_wait3A_1251 : memref<425984x64xf32, #tpu.memory_space<hbm>>) dst(%dma_wait3A_1245 : memref<128x64xf32, #tpu.memory_space<vmem>>)
    %add3A_1252 = arith.constant 128 : i32
    %add3A_1253 = arith.addi %mul3A_2, %add3A_1252 : i32
    %dma_start3A_1254 = arith.constant 128 : i32
    %dma_start3A_1255 = arith.constant 0 : i32
    %dma_start3A_1256 = tpu.memref_slice %arg7[%dma_start3A_1254, %dma_start3A_1255] : memref<512x64xf32, #tpu.memory_space<vmem>> -> memref<128x64xf32, #tpu.memory_space<vmem>>
    %dma_start3A_1257 = arith.constant 0 : i32
    %dma_start3A_1258 = tpu.memref_slice %arg4[%add3A_1253, %dma_start3A_1257] : memref<16384x128xf32, #tpu.memory_space<hbm>> -> memref<128x64xf32, #tpu.memory_space<hbm>>
    %dma_start3A_1259 = arith.constant 0 : i32
    %dma_start3A_1260 = tpu.memref_slice %arg4[%add3A_1253, %dma_start3A_1259] : memref<16384x128xf32, #tpu.memory_space<hbm>> -> memref<128x64xf32, #tpu.memory_space<hbm>>
    %dma_start3A_1261 = arith.constant 128 : i32
    %dma_start3A_1262 = arith.constant 0 : i32
    %dma_start3A_1263 = tpu.memref_slice %arg7[%dma_start3A_1261, %dma_start3A_1262] : memref<512x64xf32, #tpu.memory_space<vmem>> -> memref<128x64xf32, #tpu.memory_space<vmem>>
    tpu.enqueue_dma source(%dma_start3A_1263 : memref<128x64xf32, #tpu.memory_space<vmem>>) target(%dma_start3A_1260 : memref<128x64xf32, #tpu.memory_space<hbm>>) target_semaphore(%arg9 : memref<!tpu.dma_semaphore, #tpu.memory_space<semaphore_mem>>)
    %dma_wait3A_1264 = arith.constant 2 : i32
    %dma_wait3A_1265 = arith.constant 256 : i32
    %dma_wait3A_1266 = arith.constant 0 : i32
    %dma_wait3A_1267 = tpu.memref_slice %arg7[%dma_wait3A_1265, %dma_wait3A_1266] : memref<512x64xf32, #tpu.memory_space<vmem>> -> memref<128x64xf32, #tpu.memory_space<vmem>>
    %dma_wait3A_1268 = arith.constant 0 : i32
    %dma_wait3A_1269 = tpu.memref_slice %arg6[%dma_wait3A_1264, %dma_wait3A_1268] : memref<4x128xi32, #tpu.memory_space<vmem>> -> memref<1x128xi32, #tpu.memory_space<vmem>>
    %dma_wait3A_1270 = tpu.memref_squeeze %dma_wait3A_1269 : memref<1x128xi32, #tpu.memory_space<vmem>> -> memref<128xi32, #tpu.memory_space<vmem>>
    %dma_wait3A_1271 = arith.constant 0 : i32
    %dma_wait3A_1272 = arith.constant 0 : i32
    %dma_wait3A_1273 = tpu.memref_slice %arg2[%dma_wait3A_1271, %dma_wait3A_1272] : memref<425984x64xf32, #tpu.memory_space<hbm>> -> memref<425984x64xf32, #tpu.memory_space<hbm>>
    tpu.wait_indirect_dma semaphore(%arg8 : memref<!tpu.dma_semaphore, #tpu.memory_space<semaphore_mem>>) src(%dma_wait3A_1273 : memref<425984x64xf32, #tpu.memory_space<hbm>>) dst(%dma_wait3A_1267 : memref<128x64xf32, #tpu.memory_space<vmem>>)
    %add3A_1274 = arith.constant 256 : i32
    %add3A_1275 = arith.addi %mul3A_2, %add3A_1274 : i32
    %dma_start3A_1276 = arith.constant 256 : i32
    %dma_start3A_1277 = arith.constant 0 : i32
    %dma_start3A_1278 = tpu.memref_slice %arg7[%dma_start3A_1276, %dma_start3A_1277] : memref<512x64xf32, #tpu.memory_space<vmem>> -> memref<128x64xf32, #tpu.memory_space<vmem>>
    %dma_start3A_1279 = arith.constant 0 : i32
    %dma_start3A_1280 = tpu.memref_slice %arg4[%add3A_1275, %dma_start3A_1279] : memref<16384x128xf32, #tpu.memory_space<hbm>> -> memref<128x64xf32, #tpu.memory_space<hbm>>
    %dma_start3A_1281 = arith.constant 0 : i32
    %dma_start3A_1282 = tpu.memref_slice %arg4[%add3A_1275, %dma_start3A_1281] : memref<16384x128xf32, #tpu.memory_space<hbm>> -> memref<128x64xf32, #tpu.memory_space<hbm>>
    %dma_start3A_1283 = arith.constant 256 : i32
    %dma_start3A_1284 = arith.constant 0 : i32
    %dma_start3A_1285 = tpu.memref_slice %arg7[%dma_start3A_1283, %dma_start3A_1284] : memref<512x64xf32, #tpu.memory_space<vmem>> -> memref<128x64xf32, #tpu.memory_space<vmem>>
    tpu.enqueue_dma source(%dma_start3A_1285 : memref<128x64xf32, #tpu.memory_space<vmem>>) target(%dma_start3A_1282 : memref<128x64xf32, #tpu.memory_space<hbm>>) target_semaphore(%arg9 : memref<!tpu.dma_semaphore, #tpu.memory_space<semaphore_mem>>)
    %dma_wait3A_1286 = arith.constant 3 : i32
    %dma_wait3A_1287 = arith.constant 384 : i32
    %dma_wait3A_1288 = arith.constant 0 : i32
    %dma_wait3A_1289 = tpu.memref_slice %arg7[%dma_wait3A_1287, %dma_wait3A_1288] : memref<512x64xf32, #tpu.memory_space<vmem>> -> memref<128x64xf32, #tpu.memory_space<vmem>>
    %dma_wait3A_1290 = arith.constant 0 : i32
    %dma_wait3A_1291 = tpu.memref_slice %arg6[%dma_wait3A_1286, %dma_wait3A_1290] : memref<4x128xi32, #tpu.memory_space<vmem>> -> memref<1x128xi32, #tpu.memory_space<vmem>>
    %dma_wait3A_1292 = tpu.memref_squeeze %dma_wait3A_1291 : memref<1x128xi32, #tpu.memory_space<vmem>> -> memref<128xi32, #tpu.memory_space<vmem>>
    %dma_wait3A_1293 = arith.constant 0 : i32
    %dma_wait3A_1294 = arith.constant 0 : i32
    %dma_wait3A_1295 = tpu.memref_slice %arg2[%dma_wait3A_1293, %dma_wait3A_1294] : memref<425984x64xf32, #tpu.memory_space<hbm>> -> memref<425984x64xf32, #tpu.memory_space<hbm>>
    tpu.wait_indirect_dma semaphore(%arg8 : memref<!tpu.dma_semaphore, #tpu.memory_space<semaphore_mem>>) src(%dma_wait3A_1295 : memref<425984x64xf32, #tpu.memory_space<hbm>>) dst(%dma_wait3A_1289 : memref<128x64xf32, #tpu.memory_space<vmem>>)
    %add3A_1296 = arith.constant 384 : i32
    %add3A_1297 = arith.addi %mul3A_2, %add3A_1296 : i32
    %dma_start3A_1298 = arith.constant 384 : i32
    %dma_start3A_1299 = arith.constant 0 : i32
    %dma_start3A_1300 = tpu.memref_slice %arg7[%dma_start3A_1298, %dma_start3A_1299] : memref<512x64xf32, #tpu.memory_space<vmem>> -> memref<128x64xf32, #tpu.memory_space<vmem>>
    %dma_start3A_1301 = arith.constant 0 : i32
    %dma_start3A_1302 = tpu.memref_slice %arg4[%add3A_1297, %dma_start3A_1301] : memref<16384x128xf32, #tpu.memory_space<hbm>> -> memref<128x64xf32, #tpu.memory_space<hbm>>
    %dma_start3A_1303 = arith.constant 0 : i32
    %dma_start3A_1304 = tpu.memref_slice %arg4[%add3A_1297, %dma_start3A_1303] : memref<16384x128xf32, #tpu.memory_space<hbm>> -> memref<128x64xf32, #tpu.memory_space<hbm>>
    %dma_start3A_1305 = arith.constant 384 : i32
    %dma_start3A_1306 = arith.constant 0 : i32
    %dma_start3A_1307 = tpu.memref_slice %arg7[%dma_start3A_1305, %dma_start3A_1306] : memref<512x64xf32, #tpu.memory_space<vmem>> -> memref<128x64xf32, #tpu.memory_space<vmem>>
    tpu.enqueue_dma source(%dma_start3A_1307 : memref<128x64xf32, #tpu.memory_space<vmem>>) target(%dma_start3A_1304 : memref<128x64xf32, #tpu.memory_space<hbm>>) target_semaphore(%arg9 : memref<!tpu.dma_semaphore, #tpu.memory_space<semaphore_mem>>)
    %dma_wait3A_1308 = arith.constant 0 : i32
    %dma_wait3A_1309 = arith.constant 0 : i32
    %dma_wait3A_1310 = tpu.memref_slice %arg7[%dma_wait3A_1308, %dma_wait3A_1309] : memref<512x64xf32, #tpu.memory_space<vmem>> -> memref<128x64xf32, #tpu.memory_space<vmem>>
    %dma_wait3A_1311 = arith.constant 0 : i32
    %dma_wait3A_1312 = tpu.memref_slice %arg4[%add3A_1231, %dma_wait3A_1311] : memref<16384x128xf32, #tpu.memory_space<hbm>> -> memref<128x64xf32, #tpu.memory_space<hbm>>
    %dma_wait3A_1313 = arith.constant 0 : i32
    %dma_wait3A_1314 = tpu.memref_slice %arg4[%add3A_1231, %dma_wait3A_1313] : memref<16384x128xf32, #tpu.memory_space<hbm>> -> memref<128x64xf32, #tpu.memory_space<hbm>>
    %dma_wait3A_1315 = arith.constant 0 : i32
    %dma_wait3A_1316 = arith.constant 0 : i32
    %dma_wait3A_1317 = tpu.memref_slice %arg7[%dma_wait3A_1315, %dma_wait3A_1316] : memref<512x64xf32, #tpu.memory_space<vmem>> -> memref<128x64xf32, #tpu.memory_space<vmem>>
    tpu.wait_dma2 semaphore(%arg9 : memref<!tpu.dma_semaphore, #tpu.memory_space<semaphore_mem>>) src(%dma_wait3A_1317 : memref<128x64xf32, #tpu.memory_space<vmem>>) dst(%dma_wait3A_1314 : memref<128x64xf32, #tpu.memory_space<hbm>>)
    %dma_wait3A_1318 = arith.constant 128 : i32
    %dma_wait3A_1319 = arith.constant 0 : i32
    %dma_wait3A_1320 = tpu.memref_slice %arg7[%dma_wait3A_1318, %dma_wait3A_1319] : memref<512x64xf32, #tpu.memory_space<vmem>> -> memref<128x64xf32, #tpu.memory_space<vmem>>
    %dma_wait3A_1321 = arith.constant 0 : i32
    %dma_wait3A_1322 = tpu.memref_slice %arg4[%add3A_1253, %dma_wait3A_1321] : memref<16384x128xf32, #tpu.memory_space<hbm>> -> memref<128x64xf32, #tpu.memory_space<hbm>>
    %dma_wait3A_1323 = arith.constant 0 : i32
    %dma_wait3A_1324 = tpu.memref_slice %arg4[%add3A_1253, %dma_wait3A_1323] : memref<16384x128xf32, #tpu.memory_space<hbm>> -> memref<128x64xf32, #tpu.memory_space<hbm>>
    %dma_wait3A_1325 = arith.constant 128 : i32
    %dma_wait3A_1326 = arith.constant 0 : i32
    %dma_wait3A_1327 = tpu.memref_slice %arg7[%dma_wait3A_1325, %dma_wait3A_1326] : memref<512x64xf32, #tpu.memory_space<vmem>> -> memref<128x64xf32, #tpu.memory_space<vmem>>
    tpu.wait_dma2 semaphore(%arg9 : memref<!tpu.dma_semaphore, #tpu.memory_space<semaphore_mem>>) src(%dma_wait3A_1327 : memref<128x64xf32, #tpu.memory_space<vmem>>) dst(%dma_wait3A_1324 : memref<128x64xf32, #tpu.memory_space<hbm>>)
    %dma_wait3A_1328 = arith.constant 256 : i32
    %dma_wait3A_1329 = arith.constant 0 : i32
    %dma_wait3A_1330 = tpu.memref_slice %arg7[%dma_wait3A_1328, %dma_wait3A_1329] : memref<512x64xf32, #tpu.memory_space<vmem>> -> memref<128x64xf32, #tpu.memory_space<vmem>>
    %dma_wait3A_1331 = arith.constant 0 : i32
    %dma_wait3A_1332 = tpu.memref_slice %arg4[%add3A_1275, %dma_wait3A_1331] : memref<16384x128xf32, #tpu.memory_space<hbm>> -> memref<128x64xf32, #tpu.memory_space<hbm>>
    %dma_wait3A_1333 = arith.constant 0 : i32
    %dma_wait3A_1334 = tpu.memref_slice %arg4[%add3A_1275, %dma_wait3A_1333] : memref<16384x128xf32, #tpu.memory_space<hbm>> -> memref<128x64xf32, #tpu.memory_space<hbm>>
    %dma_wait3A_1335 = arith.constant 256 : i32
    %dma_wait3A_1336 = arith.constant 0 : i32
    %dma_wait3A_1337 = tpu.memref_slice %arg7[%dma_wait3A_1335, %dma_wait3A_1336] : memref<512x64xf32, #tpu.memory_space<vmem>> -> memref<128x64xf32, #tpu.memory_space<vmem>>
    tpu.wait_dma2 semaphore(%arg9 : memref<!tpu.dma_semaphore, #tpu.memory_space<semaphore_mem>>) src(%dma_wait3A_1337 : memref<128x64xf32, #tpu.memory_space<vmem>>) dst(%dma_wait3A_1334 : memref<128x64xf32, #tpu.memory_space<hbm>>)
    %dma_wait3A_1338 = arith.constant 384 : i32
    %dma_wait3A_1339 = arith.constant 0 : i32
    %dma_wait3A_1340 = tpu.memref_slice %arg7[%dma_wait3A_1338, %dma_wait3A_1339] : memref<512x64xf32, #tpu.memory_space<vmem>> -> memref<128x64xf32, #tpu.memory_space<vmem>>
    %dma_wait3A_1341 = arith.constant 0 : i32
    %dma_wait3A_1342 = tpu.memref_slice %arg4[%add3A_1297, %dma_wait3A_1341] : memref<16384x128xf32, #tpu.memory_space<hbm>> -> memref<128x64xf32, #tpu.memory_space<hbm>>
    %dma_wait3A_1343 = arith.constant 0 : i32
    %dma_wait3A_1344 = tpu.memref_slice %arg4[%add3A_1297, %dma_wait3A_1343] : memref<16384x128xf32, #tpu.memory_space<hbm>> -> memref<128x64xf32, #tpu.memory_space<hbm>>
    %dma_wait3A_1345 = arith.constant 384 : i32
    %dma_wait3A_1346 = arith.constant 0 : i32
    %dma_wait3A_1347 = tpu.memref_slice %arg7[%dma_wait3A_1345, %dma_wait3A_1346] : memref<512x64xf32, #tpu.memory_space<vmem>> -> memref<128x64xf32, #tpu.memory_space<vmem>>
    tpu.wait_dma2 semaphore(%arg9 : memref<!tpu.dma_semaphore, #tpu.memory_space<semaphore_mem>>) src(%dma_wait3A_1347 : memref<128x64xf32, #tpu.memory_space<vmem>>) dst(%dma_wait3A_1344 : memref<128x64xf32, #tpu.memory_space<hbm>>)
    return
  }
}

</mosaic_0001>

<sc_bundles>
// kernel: kernel.3.cloned.1.call-start
scs
__scs_entry_jumppad:
0x0: {  	(pc) =	sbr.rel $0x88, $3  }
0x1: {  	(tag) =	ssettag $0x0;
	lr =	simm.s32 $0x1  }
0x2: {  	[smem:$0x3F9F] =	sst lr;
	_ =	strace $0xD0000000  }
0x3: {  	_ = 	snop  }
0x4: {  	_ = 	snop  }
0x5: {  	_ = 	snop  }
0x6: {  	_ = 	snop  }
0x7: {  	_ = 	snop  }
__scs_overlays_trampoline_lowered:
0x8: {  	[smem:$0x3FAE] =	sst s0  }
0x9: {  	[smem:$0x3FAF] =	sst s1  }
0xa: {  	[smem:$0x3FB0] =	sst s2  }
0xb: {  	[smem:$0x3FB1] =	sst s3  }
0xc: {  	[smem:$0x3FB2] =	sst s4  }
0xd: {  	[smem:$0x3FB3] =	sst s5  }
0xe: {  	[smem:$0x3FB4] =	sst s6  }
0xf: {  	[smem:$0x3FB5] =	sst s7  }
0x10: {  	[smem:$0x3FB6] =	sst s8  }
0x11: {  	[smem:$0x3FB7] =	sst s9;
	s0 =	simm.s32 @!p0 $0x0  }
0x12: {  	s1 =	sld [smem:$0x3F9D];
	s0 =	simm.s32 @p0 $0x1  }
0x13: {  	[smem:$0x3FB8] =	sst s0;
	s0 =	simm.s32 @!p1 $0x0  }
0x14: {  	s2 =	sld [smem:$0x3F9C];
	s0 =	simm.s32 @p1 $0x1  }
0x15: {  	[smem:$0x3FB9] =	sst s0;
	s0 =	simm.s32 @!p2 $0x0  }
0x16: {  	s3 =	sld [smem:$0x3FDB];
	s0 =	simm.s32 @p2 $0x1  }
0x17: {  	s4 =	simm.s32 $0x1BF5;
	[smem:$0x3FBB] =	sst s0  }
0x18: {  	s0 =	sld [smem:$0x3F9E];
	_ =	swait.ge [sflag:s4], $0x0  }
0x19: {  	s7 =	sld [smem:$0x3F9F]  }
0x1a: {  	s8 =	sadd.s32 $0xFFFFE003, lr  }
0x1b: {  	s9 =	sadd.s32 $0xFFFFFEF7, lr;
	s5 =	simm.s32 $0xFFFFFFFF;
	p2 =	slt.u32 s8, $0xFFFFF086  }
0x1c: {  	p1 =	slt.u32 s9, $0xF7A;
	s5 =	simm.s32 @!p2 $0x0  }
0x1d: {  	s5 =	simm.s32 @p1 $0x1;
	p0 =	seq.s32 s7, s2  }
0x1e: {  	s7 =	smul.u32 @!p0 $0xF7A, s2;
	p2 =	seq.s32 @!p0 s5, $0x0  }
0x1f: {  	s9 =	smul.u32 $0xF7A, s1;
	s8 =	simm.s32 @!p0 $0x1BF5;
	p2 =	por !p2, p0  }
0x20: {  	[sflag:s8] =	ssyncset.s32 @!p0 $0xFFFFF086;
	s6 =	sadd.s32 @!p0 s3, s7;
	s7 =	simm.s32 @!p0 $0x108  }
0x21: {  	s3 =	sadd.s32 s3, s9;
	s6 =	sadd.s32 @!p0 $0x88, s6;
	s7 =	simm.s32 @p2 $0x1082  }
0x22: {  	[simem:s7], [sflag:s8] =	dma.local @!p0 [hbm:s6], $0xF7A  }
0x23: {  	s9 =	sor.u32 $0xD0000000, s2;
	s6 =	simm.s32 $0x108;
	_ =	swait.ge @!p0 [sflag:s8], $0x0  }
0x24: {  	s3 =	sadd.s32 $0x88, s3;
	s6 =	simm.s32 @!p1 $0x1082;
	[sflag:s4] =	ssyncset.s32 $0xFFFFF086  }
0x25: {  	[simem:s6], [sflag:s4] =	dma.local [hbm:s3], $0xF7A  }
0x26: {  	[smem:$0x3F9F] =	sst s1;
	(tag) =	ssettag s2;
	_ =	strace s9  }
0x27: {  	s1 =	sld [smem:$0x3FAF]  }
0x28: {  	s2 =	sld [smem:$0x3FB0]  }
0x29: {  	s4 =	sld [smem:$0x3FB2]  }
0x2a: {  	p0 =	seq.s32 s5, $0x0;
	s5 =	sld [smem:$0x3FB3]  }
0x2b: {  	s6 =	sld [smem:$0x3FB4]  }
0x2c: {  	s7 =	sld [smem:$0x3FB5]  }
0x2d: {  	s3 =	simm.s32 $0x108;
	s8 =	sld [smem:$0x3FB6]  }
0x2e: {  	s3 =	simm.s32 @!p0 $0x1082;
	s9 =	sld [smem:$0x3FB7]  }
0x2f: {  	lr =	sadd.s32 s0, s3;
	s0 =	sld [smem:$0x3FAE]  }
0x30: {  	s3 =	sld [smem:$0x3FB1]  }
0x31: {  	[smem:$0x3FBA] =	sst s10  }
0x32: {  	s10 =	sld [smem:$0x3FB8];
	_ =	sdelay $0x3  }
0x33: {  	p0 =	seq.s32 s10, $0x1;
	s10 =	sld [smem:$0x3FBA];
	_ =	sdelay $0x3  }
0x34: {  	[smem:$0x3FBA] =	sst s10  }
0x35: {  	s10 =	sld [smem:$0x3FB9];
	_ =	sdelay $0x3  }
0x36: {  	p1 =	seq.s32 s10, $0x1;
	s10 =	sld [smem:$0x3FBA];
	_ =	sdelay $0x3  }
0x37: {  	[smem:$0x3FBA] =	sst s10  }
0x38: {  	s10 =	sld [smem:$0x3FBB]  }
0x39: {  	_ = 	snop;
	(pc) =	sbr.ind lr, $3  }
0x3a: {  	_ = 	snop  }
0x3b: {  	_ = 	snop  }
0x3c: {  	p2 =	seq.s32 s10, $0x1;
	s10 =	sld [smem:$0x3FBA]  }
0x3d: {  	_ =	shalt  }
0x3e: {  	_ =	shalt  }
0x3f: {  	_ =	shalt  }
0x40: {  	_ =	shalt  }
0x41: {  	_ =	shalt  }
0x42: {  	_ =	shalt  }
0x43: {  	_ =	shalt  }
0x44: {  	_ =	shalt  }
0x45: {  	_ =	shalt  }
0x46: {  	_ =	shalt  }
0x47: {  	_ =	shalt  }
0x48: {  	_ =	shalt  }
0x49: {  	_ =	shalt  }
0x4a: {  	_ =	shalt  }
0x4b: {  	_ =	shalt  }
0x4c: {  	_ =	shalt  }
0x4d: {  	_ =	shalt  }
0x4e: {  	_ =	shalt  }
0x4f: {  	_ =	shalt  }
0x50: {  	_ =	shalt  }
0x51: {  	_ =	shalt  }
0x52: {  	_ =	shalt  }
0x53: {  	_ =	shalt  }
0x54: {  	_ =	shalt  }
0x55: {  	_ =	shalt  }
0x56: {  	_ =	shalt  }
0x57: {  	_ =	shalt  }
0x58: {  	_ =	shalt  }
0x59: {  	_ =	shalt  }
0x5a: {  	_ =	shalt  }
0x5b: {  	_ =	shalt  }
0x5c: {  	_ =	shalt  }
0x5d: {  	_ =	shalt  }
0x5e: {  	_ =	shalt  }
0x5f: {  	_ =	shalt  }
0x60: {  	_ =	shalt  }
0x61: {  	_ =	shalt  }
0x62: {  	_ =	shalt  }
0x63: {  	_ =	shalt  }
0x64: {  	_ =	shalt  }
0x65: {  	_ =	shalt  }
0x66: {  	_ =	shalt  }
0x67: {  	_ =	shalt  }
0x68: {  	_ =	shalt  }
0x69: {  	_ =	shalt  }
0x6a: {  	_ =	shalt  }
0x6b: {  	_ =	shalt  }
0x6c: {  	_ =	shalt  }
0x6d: {  	_ =	shalt  }
0x6e: {  	_ =	shalt  }
0x6f: {  	_ =	shalt  }
0x70: {  	_ =	shalt  }
0x71: {  	_ =	shalt  }
0x72: {  	_ =	shalt  }
0x73: {  	_ =	shalt  }
0x74: {  	_ =	shalt  }
0x75: {  	_ =	shalt  }
0x76: {  	_ =	shalt  }
0x77: {  	_ =	shalt  }
0x78: {  	_ =	shalt  }
0x79: {  	_ =	shalt  }
0x7a: {  	_ =	shalt  }
0x7b: {  	_ =	shalt  }
0x7c: {  	_ =	shalt  }
0x7d: {  	_ =	shalt  }
0x7e: {  	_ =	shalt  }
0x7f: {  	_ =	shalt  }
0x80: {  	_ =	shalt  }
0x81: {  	_ =	shalt  }
0x82: {  	_ =	shalt  }
0x83: {  	_ =	shalt  }
0x84: {  	_ =	shalt  }
0x85: {  	_ =	shalt  }
0x86: {  	_ =	shalt  }
0x87: {  	_ =	shalt  }
.Lfunc_end0:
.L_simem_size_0:
called_computation_lowered:
.L_overlay_start_0:
0x88: {  	s2 =	sld [smem:$0x3FD9]  }
0x89: {  	s3 =	sld [smem:$0x3FFE];
	_ =	sdelay $0x1  }
0x8a: {  	s1 =	srdreg.scid  }
0x8b: {  	s0 =	sand.u32 $0x1, s1  }
0x8c: {  	s17 =	sshll.u32 s0, $0xA;
	s2 =	sadd.s32 s3, s2  }
0x8d: {  	s2 =	sadd.s32 s2, s17  }
0x8e: {  	[smem:$0x3FC6] =	sst s2  }
0x8f: {  	_ = 	snop  }
0x90: {  	s2 =	sld [smem:$0x3FC9]  }
0x91: {  	s18 =	sld [smem:$0x3FC8];
	(tm) =	ssettm $0x1  }
0x92: {  	s4 =	sld [smem:$0x3FFB];
	_ =	sdelay $0x3  }
0x93: {  	_ =	strace s4  }
0x94: {  	s4 =	sld [smem:$0x3FFC];
	_ =	sdelay $0x3  }
0x95: {  	_ =	strace s4  }
0x96: {  	s4 =	sld [smem:$0x3FFD];
	_ =	sdelay $0x3  }
0x97: {  	_ =	strace s4  }
0x98: {  	_ =	strace $0x8FFFFFFF  }
0x99: {  	s19 =	sld [smem:$0x3FDB];
	_ =	sdelay $0x1  }
0x9a: {  	s5 =	simm.s32 $_scs_section_size  }
0x9b: {  	s6 =	simm.s32 $_size__tile_overlayer_lowered;
	s7 =	simm.s32 $_tile_overlayer_lowered  }
0x9c: {  	s22 =	simm.s32 $0x1BFF;
	s21 =	sshll.u32 s7, $0x1;
	s4 =	sadd.s32 s5, s19  }
0x9d: {  	s8 =	simm.s32 $0x0;
	s20 =	sshll.u32 s6, $0x1;
	s6 =	sadd.s32 s21, s4  }
0x9e: {  	[timem:s8], [sflag:s22] =	dma.local [hbm:s6], s20  }
0x9f: {  	_ =	swait.ge [sflag:s22], s20  }
0xa0: {  	s5 =	ssub.s32 $0x0, s20;
	[sflag:s22] =	ssyncset.done $0x0  }
0xa1: {  	[sflag:s22] =	ssyncadd.s32 s5;
	_ =	sdelay $0x1  }
0xa2: {  	s23 =	simm.s32 $0x1B8B  }
0xa3: {  	_ =	swait.ge [sflag:s23], $0x1  }
0xa4: {  	[sflag:s23] =	ssyncset.done $0x0  }
0xa5: {  	s25 =	simm.s32 $0x1B8E;
	s24 =	sld [smem:$0x3FFE];
	[sflag:s23] =	ssyncadd.s32 $0xFFFFFFFF  }
0xa6: {  	s26 =	simm.s32 $execute0_lowered;
	[smem:$0x3FD2] =	sst s25  }
0xa7: {  	s6 =	sshll.u32 s26, $0x1;
	_ =	strace $0x80000046;
	[dreg:$0x1] =	wrdreg $0xFFFFFFFF  }
0xa8: {  	s28 =	simm.s32 $_size_execute0_lowered;
	s4 =	sadd.s32 s4, s6;
	[dreg:$0x0] =	wrdreg $0x0  }
0xa9: {  	s6 =	sshll.u32 s28, $0x1;
	[dreg:$0x2] =	wrdreg s4  }
0xaa: {  	[dreg:$0x3] =	wrdreg s6  }
0xab: {  	[dreg:$0x4] =	wrdreg $0xC0  }
0xac: {  	_ =	task [dreg:s8], $0x5FFFF  }
0xad: {  	[dreg:$0x1] =	wrdreg $0xFFFFFFFF  }
0xae: {  	[dreg:$0x0] =	wrdreg $0x60  }
0xaf: {  	[dreg:$0x2] =	wrdreg s2  }
0xb0: {  	[dreg:$0x3] =	wrdreg s18  }
0xb1: {  	[dreg:$0x4] =	wrdreg s24  }
0xb2: {  	[dreg:$0x5] =	wrdreg $0x9  }
0xb3: {  	_ =	task.clear_ibuf [dreg:s8], $0x6FFFF;
	_ =	strace $0x90000046  }
0xb4: {  	s29 =	simm.s32 $0x9;
	_ =	strace $0x80000048  }
0xb5: {  	_ =	swait.ge [sflag:s29], $0x1  }
0xb6: {  	[sflag:s29] =	ssyncadd.s32 $0xFFFFFFFF  }
0xb7: {  	_ =	strace $0x90000048  }
0xb8: {  	_ =	sfence  }
0xb9: {  	s30 =	sld [smem:$0x0];
	_ =	sdelay $0x2  }
0xba: {  	s31 =	sshll.u32 s1, $0xD;
	s1 =	sshrl.u32 s1, $0x2  }
0xbb: {  	s3 =	sand.u32 $0x4000, s31;
	s1 =	sadd.s32 s1, s30  }
0xbc: {  	s0 =	sor.u32 s3, s0;
	s1 =	sshll.u32 s1, $0x11  }
0xbd: {  	s0 =	sor.u32 s1, s0  }
0xbe: {  	s0 =	sadd.s32 $0x8F2B, s0  }
0xbf: {  	[sflag:s0] =	ssyncadd.remote.s32 $0x1  }
0xc0: {  	_ =	sfence.sel $0xFFFF  }
0xc1: {  	[dreg:$0x0] =	wrdreg $0xFFFFFFFF;
	(pc) =	sbr.abs _section_cstart, $3  }
0xc2: {  	[dreg:$0x1] =	wrdreg $0xFFFFFFFF  }
0xc3: {  	_ =	task.clear_ibuf [dreg:s8], $0x2FFFF;
	_ =	strace $0x9FFFFFFF  }
0xc4: {  	(tm) =	ssettm $0x7FFFFFFF  }
0xc5: {  	_ =	shalt  }
tec
execute0_lowered:
.L_overlay_start_1:
0x0: {  	(tag) =	ssettag $0x1  }
0x1: {  	s1 =	srdreg.scid  }
0x2: {  	s0 =	stileid.u32;
	s4 =	sand.u32 $0x1, s1  }
0x3: {  	s8 =	sshll.u32 s0, $0xA;
	s2 =	sshll.u32 s4, $0x9  }
0x4: {  	v30 =	vlaneseq.u32;
	s5 =	sor.u32 s2, s8  }
0x5: {  	v33 =	vand.u32 $0x7, v30;
	s1 =	sor.u32 $0x10, s5;
	v0 =	vor.u32 s5, v30;
	s9 =	sor.u32 $0x20, s5  }
0x6: {  	s10 =	sor.u32 $0x30, s5;
	s2 =	sor.u32 $0x40, s5;
	s11 =	sor.u32 $0x50, s5;
	v1 =	vor.u32 s1, v30;
	v0 =	vshrl.u32 v0, $0x3;
	v2 =	vor.u32 s9, v30  }
0x7: {  	s12 =	sor.u32 $0x60, s5;
	s13 =	sor.u32 $0x70, s5;
	s6 =	sor.u32 $0x80, s5;
	v3 =	vor.u32 s10, v30;
	v4 =	vor.u32 s2, v30;
	v5 =	vor.u32 s11, v30  }
0x8: {  	s14 =	sor.u32 $0x90, s5;
	s15 =	sor.u32 $0xA0, s5;
	s16 =	sor.u32 $0xB0, s5;
	v6 =	vor.u32 s12, v30;
	v7 =	vor.u32 s13, v30;
	v8 =	vor.u32 s6, v30  }
0x9: {  	s17 =	sor.u32 $0xC0, s5;
	s18 =	sor.u32 $0xD0, s5;
	s19 =	sor.u32 $0xE0, s5;
	v9 =	vor.u32 s14, v30;
	v10 =	vor.u32 s15, v30;
	v11 =	vor.u32 s16, v30  }
0xa: {  	s20 =	sor.u32 $0xF0, s5;
	s7 =	sor.u32 $0x100, s5;
	s3 =	sor.u32 $0x110, s5;
	v12 =	vor.u32 s17, v30;
	v13 =	vor.u32 s18, v30;
	v14 =	vor.u32 s19, v30  }
0xb: {  	s21 =	sor.u32 $0x140, s5;
	s22 =	sor.u32 $0x150, s5;
	s23 =	sor.u32 $0x160, s5;
	v15 =	vor.u32 s20, v30;
	v16 =	vor.u32 s7, v30;
	v17 =	vor.u32 s3, v30  }
0xc: {  	s24 =	sor.u32 $0x170, s5;
	s26 =	sor.u32 $0x180, s5;
	s28 =	sor.u32 $0x190, s5;
	v20 =	vor.u32 s21, v30;
	v21 =	vor.u32 s22, v30;
	v22 =	vor.u32 s23, v30  }
0xd: {  	s29 =	sor.u32 $0x1A0, s5;
	s30 =	sor.u32 $0x1B0, s5;
	s31 =	sor.u32 $0x1C0, s5;
	v23 =	vor.u32 s24, v30;
	v24 =	vor.u32 s26, v30;
	v25 =	vor.u32 s28, v30  }
0xe: {  	v26 =	vor.u32 s29, v30;
	v27 =	vor.u32 s30, v30;
	v28 =	vor.u32 s31, v30  }
0xf: {  	v1 =	vshrl.u32 v1, $0x3;
	v0 =	vmul.u32 $0xD, v0;
	v2 =	vshrl.u32 v2, $0x3  }
0x10: {  	v3 =	vshrl.u32 v3, $0x3;
	v4 =	vshrl.u32 v4, $0x3;
	v5 =	vshrl.u32 v5, $0x3  }
0x11: {  	v6 =	vshrl.u32 v6, $0x3;
	v7 =	vshrl.u32 v7, $0x3;
	v8 =	vshrl.u32 v8, $0x3  }
0x12: {  	v9 =	vshrl.u32 v9, $0x3;
	v10 =	vshrl.u32 v10, $0x3;
	v11 =	vshrl.u32 v11, $0x3  }
0x13: {  	v12 =	vshrl.u32 v12, $0x3;
	v13 =	vshrl.u32 v13, $0x3;
	v14 =	vshrl.u32 v14, $0x3  }
0x14: {  	s10 =	sor.u32 $0x120, s5;
	s11 =	sor.u32 $0x130, s5;
	v15 =	vshrl.u32 v15, $0x3;
	v16 =	vshrl.u32 v16, $0x3;
	v17 =	vshrl.u32 v17, $0x3  }
0x15: {  	v18 =	vor.u32 s10, v30;
	v19 =	vor.u32 s11, v30;
	v20 =	vshrl.u32 v20, $0x3  }
0x16: {  	v21 =	vshrl.u32 v21, $0x3;
	v22 =	vshrl.u32 v22, $0x3;
	v23 =	vshrl.u32 v23, $0x3  }
0x17: {  	s14 =	sor.u32 $0x1D0, s5;
	v24 =	vshrl.u32 v24, $0x3;
	v25 =	vshrl.u32 v25, $0x3;
	v26 =	vshrl.u32 v26, $0x3  }
0x18: {  	s8 =	rddreg [dreg:$0x1];
	s15 =	sor.u32 $0x1E0, s5;
	s16 =	sor.u32 $0x1F0, s5;
	v27 =	vshrl.u32 v27, $0x3;
	v28 =	vshrl.u32 v28, $0x3;
	v29 =	vor.u32 s14, v30  }
0x19: {  	s1 =	rddreg [dreg:$0x0];
	v31 =	vor.u32 s15, v30;
	v32 =	vor.u32 s16, v30;
	v1 =	vmul.u32 $0xD, v1  }
0x1a: {  	s9 =	rddreg [dreg:$0x2];
	v2 =	vmul.u32 $0xD, v2;
	v3 =	vmul.u32 $0xD, v3;
	v4 =	vmul.u32 $0xD, v4  }
0x1b: {  	s4 =	ssub.s32 $0x2, s4;
	s2 =	rddreg [dreg:$0x3];
	v5 =	vmul.u32 $0xD, v5;
	v6 =	vmul.u32 $0xD, v6;
	v7 =	vmul.u32 $0xD, v7  }
0x1c: {  	s3 =	simm.s32 $0x0;
	s12 =	sshrl.u32 s4, $0x1;
	s13 =	sshrl.u32 s5, $0x3;
	v8 =	vmul.u32 $0xD, v8;
	v9 =	vmul.u32 $0xD, v9;
	v10 =	vmul.u32 $0xD, v10  }
0x1d: {  	s5 =	sshll.u32 s5, $0x4;
	s6 =	sshll.u32 s6, $0x4;
	s7 =	sshll.u32 s7, $0x4;
	v11 =	vmul.u32 $0xD, v11;
	v12 =	vmul.u32 $0xD, v12;
	v13 =	vmul.u32 $0xD, v13  }
0x1e: {  	s17 =	simm.s32 $0x4400;
	s18 =	simm.s32 $0x380;
	s19 =	simm.s32 $0x6400;
	v14 =	vmul.u32 $0xD, v14;
	v15 =	vmul.u32 $0xD, v15;
	v16 =	vmul.u32 $0xD, v16  }
0x1f: {  	s20 =	simm.s32 $0x1;
	s21 =	simm.s32 $0x40;
	s22 =	simm.s32 $0x2;
	v17 =	vmul.u32 $0xD, v17;
	v18 =	vshrl.u32 v18, $0x3;
	v19 =	vshrl.u32 v19, $0x3  }
0x20: {  	[smem:$0x7FF] =	sst s3;
	s9 =	sadd.s32 $0x400, s9;
	s25 =	ssub.s32 s4, s12;
	v20 =	vmul.u32 $0xD, v20;
	v21 =	vmul.u32 $0xD, v21;
	v22 =	vmul.u32 $0xD, v22  }
0x21: {  	s4 =	sadd.s32 s8, s13;
	s8 =	sshll.u32 s26, $0x4;
	s10 =	simm.s32 $0x3;
	v23 =	vmul.u32 $0xD, v23;
	v24 =	vmul.u32 $0xD, v24;
	v25 =	vmul.u32 $0xD, v25  }
0x22: {  	s11 =	simm.s32 $0x80;
	s12 =	simm.s32 $0x200;
	s13 =	simm.s32 $0x400;
	v26 =	vmul.u32 $0xD, v26;
	v27 =	vmul.u32 $0xD, v27;
	v28 =	vmul.u32 $0xD, v28  }
0x23: {  	s14 =	simm.s32 $0x280;
	s15 =	simm.s32 $0x2400;
	s16 =	simm.s32 $0x300;
	v29 =	vshrl.u32 v29, $0x3;
	v31 =	vshrl.u32 v31, $0x3;
	v32 =	vshrl.u32 v32, $0x3  }
0x24: {  	_ =	strace $0x80000047;
	s5 =	sadd.s32 s9, s5;
	s6 =	sadd.s32 s9, s6;
	v18 =	vmul.u32 $0xD, v18;
	v19 =	vmul.u32 $0xD, v19;
	v29 =	vmul.u32 $0xD, v29  }
0x25: {  	s7 =	sadd.s32 s9, s7;
	s8 =	sadd.s32 s9, s8;
	s9 =	smax.u32 s25, $0x1;
	v30 =	vmul.u32 $0xD, v31;
	v31 =	vmul.u32 $0xD, v32;
	v32 =	vmul.u32 $0x2, v33  }
.LBB2_1:
0x26: {  	[tilespmem:s3], [sflag:$0x3] =	stream.linear.gather [hbm4b:s4+s3], $0x200, $0x38;
	[tilespmem:$0x8400] =	vst v63  }
0x27: {  	_ =	swait.ge [sflag:s10], $0x200  }
0x28: {  	[sflag:s10] =	ssyncset.done $0x0  }
0x29: {  	[sflag:s10] =	ssyncadd.s32 $0xFFFFFE00  }
0x2a: {  	v33 =	vld [tilespmem:$0x0]  }
0x2b: {  	v34 =	vld [tilespmem:$0x10]  }
0x2c: {  	v35 =	vld [tilespmem:$0x20]  }
0x2d: {  	v37 =	vld [tilespmem:$0x30]  }
0x2e: {  	v60 =	vld [tilespmem:$0x40]  }
0x2f: {  	v39 =	vld [tilespmem:$0x50]  }
0x30: {  	v63 =	vld [tilespmem:$0x60]  }
0x31: {  	v41 =	vld [tilespmem:$0x70]  }
0x32: {  	v36 =	vshrl.u32 v33, $0x1;
	v38 =	vshrl.u32 v34, $0x1;
	v33 =	vand.u32 $0x1, v33  }
0x33: {  	v34 =	vand.u32 $0x1, v34;
	v61 =	vshrl.u32 v35, $0x1;
	v40 =	vshrl.u32 v37, $0x1  }
0x34: {  	v35 =	vand.u32 $0x1, v35;
	v37 =	vand.u32 $0x1, v37;
	v45 =	vshrl.u32 v60, $0x1  }
0x35: {  	v42 =	vshrl.u32 v39, $0x1;
	v48 =	vand.u32 $0x1, v39;
	v50 =	vshrl.u32 v63, $0x1  }
0x36: {  	v52 =	vshrl.u32 v41, $0x1;
	v53 =	vand.u32 $0x1, v63;
	v56 =	vand.u32 $0x1, v41  }
0x37: {  	v36 =	vadd.s32 v0, v36;
	v38 =	vadd.s32 v1, v38;
	v40 =	vadd.s32 v3, v40  }
0x38: {  	v42 =	vadd.s32 v5, v42;
	v51 =	vadd.s32 v6, v50;
	v36 =	vshll.u32 v36, $0x4  }
0x39: {  	v59 =	vshll.u32 v38, $0x4;
	v62 =	vshll.u32 v40, $0x4;
	v38 =	vand.u32 $0x1, v60  }
0x3a: {  	v47 =	vshll.u32 v42, $0x4;
	v33 =	vor.u32 v33, v36;
	v36 =	vadd.s32 v2, v61  }
0x3b: {  	v34 =	vor.u32 v34, v59;
	v33 =	vor.u32 v32, v33;
	v36 =	vshll.u32 v36, $0x4  }
0x3c: {  	v49 =	vor.u32 v48, v47;
	v34 =	vor.u32 v32, v34;
	v35 =	vor.u32 v35, v36;
	[tilespmem:$0x200] =	vst v33  }
0x3d: {  	v36 =	vor.u32 v37, v62;
	v37 =	vadd.s32 v4, v45;
	[tilespmem:$0x210] =	vst v34;
	v34 =	vor.u32 v32, v49  }
0x3e: {  	v35 =	vor.u32 v32, v35;
	v36 =	vor.u32 v32, v36;
	v37 =	vshll.u32 v37, $0x4;
	[tilespmem:$0x250] =	vst v34  }
0x3f: {  	v46 =	vor.u32 v38, v37;
	[tilespmem:$0x220] =	vst v35;
	v35 =	vshll.u32 v51, $0x4;
	v37 =	vadd.s32 v7, v52  }
0x40: {  	[tilespmem:$0x230] =	vst v36;
	v33 =	vor.u32 v32, v46;
	v54 =	vor.u32 v53, v35;
	v55 =	vshll.u32 v37, $0x4  }
0x41: {  	[tilespmem:$0x240] =	vst v33;
	v33 =	vor.u32 v32, v54;
	v57 =	vor.u32 v56, v55  }
0x42: {  	[tilespmem:$0x260] =	vst v33;
	v58 =	vor.u32 v32, v57  }
0x43: {  	[tilespmem:$0x270] =	vst v58  }
0x44: {  	[tilespmem:s13], [sflag:$0x1] =	stream.indirect.gather [hbm4b:s1+s11], $0x40, s12, s11, $0xb8;
	[tilespmem:$0x8400] =	vst v63  }
0x45: {  	v59 =	vld [tilespmem:$0x80]  }
0x46: {  	v60 =	vld [tilespmem:$0x90]  }
0x47: {  	v61 =	vld [tilespmem:$0xA0]  }
0x48: {  	v63 =	vld [tilespmem:$0xB0]  }
0x49: {  	v45 =	vld [tilespmem:$0xC0]  }
0x4a: {  	v47 =	vld [tilespmem:$0xD0]  }
0x4b: {  	v50 =	vld [tilespmem:$0xE0]  }
0x4c: {  	v52 =	vld [tilespmem:$0xF0]  }
0x4d: {  	v62 =	vshrl.u32 v59, $0x1;
	v43 =	vshrl.u32 v60, $0x1;
	v33 =	vand.u32 $0x1, v59  }
0x4e: {  	v34 =	vand.u32 $0x1, v60;
	v46 =	vshrl.u32 v61, $0x1;
	v48 =	vshrl.u32 v63, $0x1  }
0x4f: {  	v35 =	vand.u32 $0x1, v61;
	v37 =	vand.u32 $0x1, v63;
	v51 =	vshrl.u32 v45, $0x1  }
0x50: {  	v53 =	vshrl.u32 v47, $0x1;
	v56 =	vand.u32 $0x1, v47;
	v58 =	vshrl.u32 v50, $0x1  }
0x51: {  	v60 =	vshrl.u32 v52, $0x1;
	v61 =	vand.u32 $0x1, v50;
	v36 =	vadd.s32 v8, v62  }
0x52: {  	v38 =	vadd.s32 v9, v43;
	v40 =	vadd.s32 v11, v48;
	v42 =	vadd.s32 v13, v53  }
0x53: {  	v59 =	vadd.s32 v14, v58;
	v36 =	vshll.u32 v36, $0x4;
	v44 =	vshll.u32 v38, $0x4  }
0x54: {  	v49 =	vshll.u32 v40, $0x4;
	v38 =	vand.u32 $0x1, v45;
	v55 =	vshll.u32 v42, $0x4  }
0x55: {  	v40 =	vand.u32 $0x1, v52;
	v33 =	vor.u32 v33, v36;
	v36 =	vadd.s32 v10, v46  }
0x56: {  	v34 =	vor.u32 v34, v44;
	v33 =	vor.u32 v32, v33;
	v36 =	vshll.u32 v36, $0x4  }
0x57: {  	v57 =	vor.u32 v56, v55;
	v34 =	vor.u32 v32, v34;
	v35 =	vor.u32 v35, v36;
	[tilespmem:$0x280] =	vst v33  }
0x58: {  	v36 =	vor.u32 v37, v49;
	v37 =	vadd.s32 v12, v51;
	[tilespmem:$0x290] =	vst v34;
	v34 =	vor.u32 v32, v57  }
0x59: {  	v35 =	vor.u32 v32, v35;
	v36 =	vor.u32 v32, v36;
	v37 =	vshll.u32 v37, $0x4;
	[tilespmem:$0x2D0] =	vst v34  }
0x5a: {  	v54 =	vor.u32 v38, v37;
	[tilespmem:$0x2A0] =	vst v35;
	v35 =	vshll.u32 v59, $0x4;
	v37 =	vadd.s32 v15, v60  }
0x5b: {  	[tilespmem:$0x2B0] =	vst v36;
	v33 =	vor.u32 v32, v54;
	v62 =	vor.u32 v61, v35;
	v63 =	vshll.u32 v37, $0x4  }
0x5c: {  	[tilespmem:$0x2C0] =	vst v33;
	v33 =	vor.u32 v32, v62;
	v41 =	vor.u32 v40, v63  }
0x5d: {  	[tilespmem:$0x2E0] =	vst v33;
	v42 =	vor.u32 v32, v41  }
0x5e: {  	[tilespmem:$0x2F0] =	vst v42  }
0x5f: {  	[tilespmem:s15], [sflag:$0x1] =	stream.indirect.gather [hbm4b:s1+s11], $0x40, s14, s11, $0xb8;
	[tilespmem:$0x8400] =	vst v63  }
0x60: {  	v43 =	vld [tilespmem:$0x100]  }
0x61: {  	v44 =	vld [tilespmem:$0x110]  }
0x62: {  	v45 =	vld [tilespmem:$0x120]  }
0x63: {  	v47 =	vld [tilespmem:$0x130]  }
0x64: {  	v50 =	vld [tilespmem:$0x140]  }
0x65: {  	v52 =	vld [tilespmem:$0x150]  }
0x66: {  	v55 =	vld [tilespmem:$0x160]  }
0x67: {  	v57 =	vld [tilespmem:$0x170]  }
0x68: {  	v46 =	vshrl.u32 v43, $0x1;
	v48 =	vshrl.u32 v44, $0x1;
	v33 =	vand.u32 $0x1, v43  }
0x69: {  	v34 =	vand.u32 $0x1, v44;
	v51 =	vshrl.u32 v45, $0x1;
	v53 =	vshrl.u32 v47, $0x1  }
0x6a: {  	v35 =	vand.u32 $0x1, v45;
	v37 =	vand.u32 $0x1, v47;
	v56 =	vshrl.u32 v50, $0x1  }
0x6b: {  	v58 =	vshrl.u32 v52, $0x1;
	v61 =	vand.u32 $0x1, v52;
	v63 =	vshrl.u32 v55, $0x1  }
0x6c: {  	v43 =	vshrl.u32 v57, $0x1;
	v44 =	vand.u32 $0x1, v55;
	v47 =	vand.u32 $0x1, v57  }
0x6d: {  	v36 =	vadd.s32 v16, v46;
	v38 =	vadd.s32 v17, v48;
	v40 =	vadd.s32 v19, v53  }
0x6e: {  	v42 =	vadd.s32 v21, v58;
	v36 =	vshll.u32 v36, $0x4;
	v49 =	vshll.u32 v38, $0x4  }
0x6f: {  	v54 =	vshll.u32 v40, $0x4;
	v38 =	vand.u32 $0x1, v50;
	v60 =	vshll.u32 v42, $0x4  }
0x70: {  	v42 =	vadd.s32 v22, v63;
	v33 =	vor.u32 v33, v36;
	v36 =	vadd.s32 v18, v51  }
0x71: {  	v34 =	vor.u32 v34, v49;
	v33 =	vor.u32 v32, v33;
	v36 =	vshll.u32 v36, $0x4  }
0x72: {  	v62 =	vor.u32 v61, v60;
	v34 =	vor.u32 v32, v34;
	v35 =	vor.u32 v35, v36;
	[tilespmem:$0x300] =	vst v33  }
0x73: {  	v36 =	vor.u32 v37, v54;
	v37 =	vadd.s32 v20, v56;
	[tilespmem:$0x310] =	vst v34;
	v34 =	vor.u32 v32, v62  }
0x74: {  	v35 =	vor.u32 v32, v35;
	v36 =	vor.u32 v32, v36;
	v37 =	vshll.u32 v37, $0x4;
	[tilespmem:$0x350] =	vst v34  }
0x75: {  	v59 =	vor.u32 v38, v37;
	[tilespmem:$0x320] =	vst v35;
	v35 =	vshll.u32 v42, $0x4;
	v37 =	vadd.s32 v23, v43  }
0x76: {  	[tilespmem:$0x330] =	vst v36;
	v33 =	vor.u32 v32, v59;
	v45 =	vor.u32 v44, v35;
	v46 =	vshll.u32 v37, $0x4  }
0x77: {  	[tilespmem:$0x340] =	vst v33;
	v33 =	vor.u32 v32, v45;
	v48 =	vor.u32 v47, v46  }
0x78: {  	[tilespmem:$0x360] =	vst v33;
	v49 =	vor.u32 v32, v48  }
0x79: {  	[tilespmem:$0x370] =	vst v49  }
0x7a: {  	[tilespmem:s17], [sflag:$0x1] =	stream.indirect.gather [hbm4b:s1+s11], $0x40, s16, s11, $0xb8;
	[tilespmem:$0x8400] =	vst v63  }
0x7b: {  	v50 =	vld [tilespmem:$0x180]  }
0x7c: {  	v51 =	vld [tilespmem:$0x190]  }
0x7d: {  	v52 =	vld [tilespmem:$0x1A0]  }
0x7e: {  	v54 =	vld [tilespmem:$0x1B0]  }
0x7f: {  	v56 =	vld [tilespmem:$0x1C0]  }
0x80: {  	v58 =	vld [tilespmem:$0x1D0]  }
0x81: {  	v63 =	vld [tilespmem:$0x1E0]  }
0x82: {  	v53 =	vshrl.u32 v50, $0x1;
	v55 =	vshrl.u32 v51, $0x1;
	v33 =	vand.u32 $0x1, v50  }
0x83: {  	v43 =	vld [tilespmem:$0x1F0];
	v34 =	vand.u32 $0x1, v51;
	v57 =	vshrl.u32 v52, $0x1;
	v35 =	vand.u32 $0x1, v52  }
0x84: {  	v60 =	vshrl.u32 v54, $0x1;
	v62 =	vshrl.u32 v56, $0x1;
	v37 =	vand.u32 $0x1, v54  }
0x85: {  	v39 =	vand.u32 $0x1, v56;
	v45 =	vshrl.u32 v58, $0x1;
	v48 =	vand.u32 $0x1, v58  }
0x86: {  	v51 =	vshrl.u32 v63, $0x1;
	v56 =	vand.u32 $0x1, v63;
	v36 =	vadd.s32 v24, v53  }
0x87: {  	v38 =	vadd.s32 v25, v55;
	v59 =	vadd.s32 v26, v57;
	v61 =	vadd.s32 v27, v60  }
0x88: {  	v47 =	vadd.s32 v29, v45;
	v54 =	vadd.s32 v30, v51;
	v57 =	vshrl.u32 v43, $0x1  }
0x89: {  	v36 =	vshll.u32 v36, $0x4;
	v38 =	vshll.u32 v38, $0x4;
	v55 =	vshll.u32 v54, $0x4  }
0x8a: {  	v33 =	vor.u32 v33, v36;
	v34 =	vor.u32 v34, v38;
	v36 =	vshll.u32 v59, $0x4  }
0x8b: {  	v38 =	vadd.s32 v28, v62;
	v59 =	vadd.s32 v31, v57;
	v33 =	vor.u32 v32, v33  }
0x8c: {  	v35 =	vor.u32 v35, v36;
	v36 =	vshll.u32 v61, $0x4;
	v49 =	vor.u32 v32, v34;
	[tilespmem:$0x380] =	vst v33  }
0x8d: {  	v38 =	vshll.u32 v38, $0x4;
	v36 =	vor.u32 v37, v36;
	[tilespmem:$0x390] =	vst v49;
	v52 =	vor.u32 v32, v35  }
0x8e: {  	v60 =	vshll.u32 v59, $0x4;
	v46 =	vor.u32 v39, v38;
	v53 =	vor.u32 v32, v36;
	[tilespmem:$0x3A0] =	vst v52  }
0x8f: {  	v61 =	vand.u32 $0x1, v43;
	v33 =	vor.u32 v56, v55;
	v58 =	vor.u32 v32, v46;
	[tilespmem:$0x3B0] =	vst v53  }
0x90: {  	v38 =	vshll.u32 v47, $0x4;
	v62 =	vor.u32 v61, v60;
	v33 =	vor.u32 v32, v33;
	[tilespmem:$0x3C0] =	vst v58  }
0x91: {  	v50 =	vor.u32 v48, v38;
	v63 =	vor.u32 v32, v62;
	[tilespmem:$0x3E0] =	vst v33  }
0x92: {  	v34 =	vor.u32 v32, v50;
	[tilespmem:$0x3F0] =	vst v63  }
0x93: {  	[tilespmem:$0x3D0] =	vst v34  }
0x94: {  	[tilespmem:s19], [sflag:$0x1] =	stream.indirect.gather [hbm4b:s1+s11], $0x40, s18, s11, $0xb8;
	[tilespmem:$0x8400] =	vst v63  }
0x95: {  	_ =	swait.ge [sflag:s20], $0x2000  }
0x96: {  	[sflag:s20] =	ssyncset.done $0x0  }
0x97: {  	[sflag:s20] =	ssyncadd.s32 $0xFFFFE000  }
0x98: {  	[hbm4b:s5+s21] =	stream.strided.scatter [tilespmem:s13], [sflag:$0x2], $0x2000, s11, s21, $0x38;
	[tilespmem:$0x8400] =	vst v63  }
0x99: {  	_ =	swait.ge [sflag:s20], $0x2000  }
0x9a: {  	[sflag:s20] =	ssyncset.done $0x0  }
0x9b: {  	[sflag:s20] =	ssyncadd.s32 $0xFFFFE000  }
0x9c: {  	[hbm4b:s6+s21] =	stream.strided.scatter [tilespmem:s15], [sflag:$0x2], $0x2000, s11, s21, $0x38;
	[tilespmem:$0x8400] =	vst v63  }
0x9d: {  	_ =	swait.ge [sflag:s20], $0x2000  }
0x9e: {  	[sflag:s20] =	ssyncset.done $0x0  }
0x9f: {  	[sflag:s20] =	ssyncadd.s32 $0xFFFFE000  }
0xa0: {  	[hbm4b:s7+s21] =	stream.strided.scatter [tilespmem:s17], [sflag:$0x2], $0x2000, s11, s21, $0x38;
	[tilespmem:$0x8400] =	vst v63  }
0xa1: {  	_ =	swait.ge [sflag:s20], $0x2000  }
0xa2: {  	[sflag:s20] =	ssyncset.done $0x0  }
0xa3: {  	[sflag:s20] =	ssyncadd.s32 $0xFFFFE000  }
0xa4: {  	[hbm4b:s8+s21] =	stream.strided.scatter [tilespmem:s19], [sflag:$0x2], $0x2000, s11, s21, $0x38;
	[tilespmem:$0x8400] =	vst v63  }
0xa5: {  	_ =	swait.ge [sflag:s22], $0x2000  }
0xa6: {  	[sflag:s22] =	ssyncset.done $0x0  }
0xa7: {  	[sflag:s22] =	ssyncadd.s32 $0xFFFFE000  }
0xa8: {  	_ =	swait.ge [sflag:s22], $0x2000  }
0xa9: {  	[sflag:s22] =	ssyncset.done $0x0  }
0xaa: {  	[sflag:s22] =	ssyncadd.s32 $0xFFFFE000  }
0xab: {  	p0 =	sne.s32 s9, $0x1;
	_ =	swait.ge [sflag:s22], $0x2000  }
.Ltmp0:
0xac: {  	[sflag:s22] =	ssyncset.done $0x0;
	(pc) =	sbr.rel @p0 .LBB2_1-.Ltmp0, $4  }
0xad: {  	[sflag:s22] =	ssyncadd.s32 $0xFFFFE000  }
0xae: {  	_ =	swait.ge [sflag:s22], $0x2000  }
0xaf: {  	[sflag:s22] =	ssyncset.done $0x0  }
0xb0: {  	s9 =	sadd.s32 $0xFFFFFFFF, s9;
	[sflag:s22] =	ssyncadd.s32 $0xFFFFE000  }
0xb1: {  	_ =	sfence.sel $0x180000  }
0xb2: {  	[bflag:$0x0] =	sbarrier.arrive $0xFFFF  }
0xb3: {  	p0 =	sne.s32 s0, $0x0;
	_ =	strace $0x90000047  }
0xb4: {  	s0 =	sadd.s32 @!p0 $0x100000, s2;
	[bflag:$0x2] =	sbarrier.arrive $0xFFFF  }
0xb5: {  	[sflag:s0] =	ssyncadd.tile.s32 @!p0 $0x1;
	_ =	shalt  }
.Lfunc_end2:
_tile_overlayer_lowered:
.L_overlay_start_2:
0xb6: {  	(tag) =	ssettag $0x2  }
0xb7: {  	s0 =	rddreg [dreg:$0x0];
	s2 =	stileid.u32  }
0xb8: {  	s1 =	rddreg [dreg:$0x1];
	p0 =	sne.s32 s2, $0x0  }
0xb9: {  	s3 =	rddreg [dreg:$0x2];
	[bflag:$0x3] =	sbarrier.arrive $0xFFFF;
	s2 =	simm.s32 @!p0 $0x1C03  }
0xba: {  	[timem:s3], [sflag:s2] =	dma.local @!p0 [hbm:s0], s1  }
0xbb: {  	s0 =	simm.s32 @!p0 $0x3  }
0xbc: {  	_ =	swait.ge @!p0 [sflag:s0], s1  }
0xbd: {  	s1 =	ssub.s32 @!p0 $0x0, s1;
	[sflag:s0] =	ssyncset.done @!p0 $0x0  }
0xbe: {  	[sflag:s0] =	ssyncadd.s32 @!p0 s1  }
0xbf: {  	[bflag:$0x3] =	sbarrier.arrive $0xFFFF  }
0xc0: {  	_ =	shalt  }

</sc_bundles>
